<compile_context>
chip_gen: v7x
topology: tpu7x:2x2x1
jax: 0.10.2.dev20260603
libtpu: 0.0.44.dev20260713+nightly
codegen_flags: <defaults>
</compile_context>

<pallas_src>
import functools
import numpy as np
import jax
import jax.numpy as jnp
from jax import lax
from jax.experimental import pallas as pl
from jax.experimental.pallas import tpu as pltpu
from jax.experimental.pallas import tpu_sc as plsc

PRE_NMS_TOPN = 6000
POST_NMS_TOPN = 300
NMS_THRESH = 0.7
A = 9
H = 64
W = 64
K = H * W
N = A * K
OUT_ROWS = 304
NT = 16
CHUNK = N // NT
CVREG = CHUNK // 16
CAP = 6144
CROWS = CAP // 128
GCAP = CAP + N
INT_MIN = -2**31


def _anchors_np(base_size=16, ratios=(0.5, 1.0, 2.0), scales=(8, 16, 32)):
    ratios = np.asarray(ratios, dtype=np.float64)
    scales = np.asarray(scales, dtype=np.float64)
    base = np.array([1, 1, base_size, base_size], dtype=np.float64) - 1
    w = base[2] - base[0] + 1
    h = base[3] - base[1] + 1
    x_ctr = base[0] + 0.5 * (w - 1)
    y_ctr = base[1] + 0.5 * (h - 1)
    size = w * h
    ws = np.round(np.sqrt(size / ratios))
    hs = np.round(ws * ratios)
    ratio_anchors = np.stack(
        [x_ctr - 0.5 * (ws - 1), y_ctr - 0.5 * (hs - 1),
         x_ctr + 0.5 * (ws - 1), y_ctr + 0.5 * (hs - 1)], axis=1)
    out = []
    for a in ratio_anchors:
        w2 = a[2] - a[0] + 1
        h2 = a[3] - a[1] + 1
        xc = a[0] + 0.5 * (w2 - 1)
        yc = a[1] + 0.5 * (h2 - 1)
        ws2 = w2 * scales
        hs2 = h2 * scales
        out.append(np.stack(
            [xc - 0.5 * (ws2 - 1), yc - 0.5 * (hs2 - 1),
             xc + 0.5 * (ws2 - 1), yc + 0.5 * (hs2 - 1)], axis=1))
    return np.vstack(out).astype(np.float32)


_ANCH = _anchors_np()


def _favg(lo, hi):
    return (lo & hi) + ((lo ^ hi) >> 1)


def _decode_select_kernel(scr_ref, dx_ref, dy_ref, dw_ref, dh_ref,
                          ax1_ref, ay1_ref, ax2_ref, ay2_ref, im_ref,
                          x1_ref, y1_ref, x2_ref, y2_ref, km_ref, ix_ref):
    ki = lax.broadcasted_iota(jnp.int32, (A, K), 1)
    ai = lax.broadcasted_iota(jnp.int32, (A, K), 0)
    sx = ((ki >> 6) << 4).astype(jnp.float32)
    sy = ((ki & 63) << 4).astype(jnp.float32)

    x1a = ax1_ref[...] + sx
    y1a = ay1_ref[...] + sy
    x2a = ax2_ref[...] + sx
    y2a = ay2_ref[...] + sy
    widths = x2a - x1a + 1.0
    heights = y2a - y1a + 1.0
    ctr_x = x1a + 0.5 * widths
    ctr_y = y1a + 0.5 * heights

    pcx = dx_ref[...] * widths + ctr_x
    pcy = dy_ref[...] * heights + ctr_y
    pw = jnp.exp(dw_ref[...]) * widths
    ph = jnp.exp(dh_ref[...]) * heights

    im0 = im_ref[0]
    im1 = im_ref[1]
    im2 = im_ref[2]
    zero = jnp.float32(0.0)
    x1 = jnp.maximum(jnp.minimum(pcx - 0.5 * pw, im1 - 1), zero)
    y1 = jnp.maximum(jnp.minimum(pcy - 0.5 * ph, im0 - 1), zero)
    x2 = jnp.maximum(jnp.minimum(pcx + 0.5 * pw, im1 - 1), zero)
    y2 = jnp.maximum(jnp.minimum(pcy + 0.5 * ph, im0 - 1), zero)

    ws_ = x2 - x1 + 1.0
    hs_ = y2 - y1 + 1.0
    min_sz = 0.0 * im2
    valid = (ws_ >= min_sz) & (hs_ >= min_sz)
    scrv = jnp.where(valid, scr_ref[...], -jnp.inf)

    b = lax.bitcast_convert_type(scrv, jnp.int32)
    key = b ^ (jnp.right_shift(b, 31) & jnp.int32(0x7FFFFFFF))
    idxn = ki * A + ai

    def bs1(_, c):
        lo, hi = c
        mid = _favg(lo, hi)
        cnt = jnp.sum((key >= mid).astype(jnp.int32))
        p = cnt < PRE_NMS_TOPN
        return (jnp.where(p, lo, mid), jnp.where(p, mid, hi))

    lo, hi = lax.fori_loop(
        0, 32, bs1, (jnp.int32(INT_MIN), jnp.int32(2**31 - 1)))
    v_thr = hi - 1

    cnt_gt = jnp.sum((key > v_thr).astype(jnp.int32))
    need_eq = PRE_NMS_TOPN - cnt_gt
    eq = key == v_thr

    def bs2(_, c):
        lo, hi = c
        mid = _favg(lo, hi)
        cnt = jnp.sum((eq & (idxn <= mid)).astype(jnp.int32))
        q = cnt >= need_eq
        return (jnp.where(q, lo, mid), jnp.where(q, mid, hi))

    _, nstar = lax.fori_loop(0, 17, bs2, (jnp.int32(-1), jnp.int32(N - 1)))
    sel = (key > v_thr) | (eq & (idxn <= nstar))

    x1_ref[...] = x1
    y1_ref[...] = y1
    x2_ref[...] = x2
    y2_ref[...] = y2
    km_ref[...] = jnp.where(sel, key, jnp.int32(INT_MIN))
    ix_ref[...] = idxn


def _compact_kernel(km_hbm, packed_hbm, out_hbm,
                    selbuf, myp, dst, grows,
                    cntv, allc, sharedc, sem, sem2):
    cid = lax.axis_index("c")
    sid = lax.axis_index("s")

    @pl.when(cid == 0)
    def _():
        base_el = sid * CHUNK
        pltpu.sync_copy(km_hbm.at[pl.ds(base_el, CHUNK)], selbuf)

        lane = lax.iota(jnp.int32, 16)
        zero16 = jnp.zeros((16,), jnp.int32)

        def init_body(j, carry):
            myp[pl.ds(j * 16, 16)] = base_el + j * 16 + lane
            return carry

        lax.fori_loop(0, CVREG, init_body, 0)

        def compress_body(j, cnt):
            v = selbuf[pl.ds(j * 16, 16)]
            m = v != jnp.int32(INT_MIN)
            mi = m.astype(jnp.int32)
            g = cnt + jnp.cumsum(mi) - 1
            pv = base_el + j * 16 + lane
            plsc.store_scatter(myp, [g], pv, mask=m)
            return cnt + plsc.all_reduce_population_count(m)

        cnt = lax.fori_loop(0, CVREG, compress_body, zero16)

        cntv[...] = cnt
        pltpu.sync_copy(cntv, sharedc.at[sid])
        plsc.subcore_barrier()
        pltpu.sync_copy(sharedc, allc)
        sidv = jnp.broadcast_to(sid, (16,))
        base = jnp.zeros((16,), jnp.int32)
        for j in range(NT):
            base = base + jnp.where(sidv > j, allc[j], zero16)

        def dst_body(j, carry):
            iv = j * 16 + lane
            d = jnp.where(iv < cnt, base + iv, CAP + base_el + iv)
            dst[pl.ds(j * 16, 16)] = d
            return carry

        lax.fori_loop(0, CVREG, dst_body, 0)

        pltpu.async_copy(packed_hbm.at[myp], grows, sem).wait()
        pltpu.async_copy(grows, out_hbm.at[dst], sem2).wait()


def _nms_kernel(x1_ref, y1_ref, x2_ref, y2_ref, kc_ref, ic_ref, out_ref,
                mk_ref):
    x1 = x1_ref[...]
    y1 = y1_ref[...]
    x2 = x2_ref[...]
    y2 = y2_ref[...]
    ic = ic_ref[...]
    area = (x2 - x1) * (y2 - y1)

    ri = lax.broadcasted_iota(jnp.int32, (CROWS, 128), 0)
    li = lax.broadcasted_iota(jnp.int32, (CROWS, 128), 1)
    slot = ri * 128 + li
    imin = jnp.int32(INT_MIN)
    mk0 = jnp.where(slot < PRE_NMS_TOPN, kc_ref[...], imin)
    mk_ref[...] = mk0

    big = jnp.int32(2**31 - 1)
    lane = lax.broadcasted_iota(jnp.int32, (1, 128), 1)
    thresh = jnp.float32(NMS_THRESH)
    eps = jnp.float32(1e-12)
    zero = jnp.float32(0.0)

    def cond(c):
        t, mkey = c[0], c[1]
        return (t < POST_NMS_TOPN) & (mkey > imin)

    def body(c):
        t, mkey, fx1, fy1, fx2, fy2 = c
        mk = mk_ref[...]
        cm = mk == mkey
        mn = jnp.min(jnp.where(cm, ic, big))
        m1 = cm & (ic == mn)
        m1f = m1.astype(jnp.float32)
        bx1 = jnp.sum(x1 * m1f)
        by1 = jnp.sum(y1 * m1f)
        bx2 = jnp.sum(x2 * m1f)
        by2 = jnp.sum(y2 * m1f)
        is0 = t == 0
        nfx1 = jnp.where(is0, bx1, fx1)
        nfy1 = jnp.where(is0, by1, fy1)
        nfx2 = jnp.where(is0, bx2, fx2)
        nfy2 = jnp.where(is0, by2, fy2)

        xx1 = jnp.maximum(x1, bx1)
        yy1 = jnp.maximum(y1, by1)
        xx2 = jnp.minimum(x2, bx2)
        yy2 = jnp.minimum(y2, by2)
        inter = jnp.clip(xx2 - xx1, 0.0) * jnp.clip(yy2 - yy1, 0.0)
        barea = (bx2 - bx1) * (by2 - by1)
        iou = inter / (barea + area - inter + eps)
        supp = (iou > thresh) | m1
        mk2 = jnp.where(supp, imin, mk)
        mk_ref[...] = mk2
        mkey2 = jnp.max(mk2)

        row = jnp.where(lane == 0, bx1,
              jnp.where(lane == 1, by1,
              jnp.where(lane == 2, bx2,
              jnp.where(lane == 3, by2, zero))))
        out_ref[pl.ds(t, 1), :] = row
        return (t + 1, mkey2, nfx1, nfy1, nfx2, nfy2)

    mkey0 = jnp.max(mk0)
    tend, _, fx1, fy1, fx2, fy2 = lax.while_loop(
        cond, body, (jnp.int32(0), mkey0, zero, zero, zero, zero))

    fill = jnp.where(lane == 0, fx1,
           jnp.where(lane == 1, fy1,
           jnp.where(lane == 2, fx2,
           jnp.where(lane == 3, fy2, zero))))

    def fbody(t, carry):
        out_ref[pl.ds(t, 1), :] = fill
        return carry

    lax.fori_loop(tend, POST_NMS_TOPN, fbody, 0)


def _make_compact():
  return functools.partial(
    pl.kernel,
    out_type=jax.ShapeDtypeStruct((GCAP, 8), jnp.float32),
    mesh=plsc.VectorSubcoreMesh(core_axis_name="c", subcore_axis_name="s"),
    compiler_params=pltpu.CompilerParams(
        needs_layout_passes=False, use_tc_tiling_on_sc=False),
    scratch_types=[
        pltpu.VMEM((CHUNK,), jnp.int32),
        pltpu.VMEM((CHUNK,), jnp.int32),
        pltpu.VMEM((CHUNK,), jnp.int32),
        pltpu.VMEM((CHUNK, 8), jnp.float32),
        pltpu.VMEM((16,), jnp.int32),
        pltpu.VMEM((NT, 16), jnp.int32),
        pltpu.VMEM_SHARED((NT, 16), jnp.int32),
        pltpu.SemaphoreType.DMA,
        pltpu.SemaphoreType.DMA,
    ],
  )(_compact_kernel)


def kernel(scores, bbox_deltas, im_info):
    scr = scores.reshape(2, A, K)[1]
    d = bbox_deltas.reshape(A, 4, K)
    anch = jnp.asarray(_ANCH)

    vspec = pl.BlockSpec(memory_space=pltpu.VMEM)
    x1, y1, x2, y2, km, ix = pl.pallas_call(
        _decode_select_kernel,
        out_shape=[jax.ShapeDtypeStruct((A, K), jnp.float32)] * 4
        + [jax.ShapeDtypeStruct((A, K), jnp.int32)] * 2,
        in_specs=[vspec] * 9 + [pl.BlockSpec(memory_space=pltpu.SMEM)],
        out_specs=[vspec] * 6,
    )(scr, d[:, 0, :], d[:, 1, :], d[:, 2, :], d[:, 3, :],
      anch[:, 0:1], anch[:, 1:2], anch[:, 2:3], anch[:, 3:4], im_info)

    kmf = lax.bitcast_convert_type(km, jnp.float32)
    ixf = lax.bitcast_convert_type(ix, jnp.float32)
    packed = jnp.stack(
        [x1, y1, x2, y2, kmf, ixf, kmf, kmf], axis=-1).reshape(N, 8)

    pc = _make_compact()(km.reshape(-1), packed)[:CAP]
    x1c = pc[:, 0]
    y1c = pc[:, 1]
    x2c = pc[:, 2]
    y2c = pc[:, 3]
    kc = lax.bitcast_convert_type(pc[:, 4], jnp.int32)
    ic = lax.bitcast_convert_type(pc[:, 5], jnp.int32)

    buf = pl.pallas_call(
        _nms_kernel,
        out_shape=jax.ShapeDtypeStruct((OUT_ROWS, 128), jnp.float32),
        in_specs=[vspec] * 6,
        out_specs=vspec,
        scratch_shapes=[pltpu.VMEM((CROWS, 128), jnp.int32)],
    )(x1c.reshape(CROWS, 128), y1c.reshape(CROWS, 128),
      x2c.reshape(CROWS, 128), y2c.reshape(CROWS, 128),
      kc.reshape(CROWS, 128), ic.reshape(CROWS, 128))

    zeros = jnp.zeros((POST_NMS_TOPN, 1), jnp.float32)
    return jnp.concatenate([zeros, buf[:POST_NMS_TOPN, :4]], axis=1)

# --- scband reference (transcript-rebuilt; emitter-appended) ---
"""Pipeline reference for scband-proposal-layer-module-53815940219163 (READ-ONLY COPY).

The authoritative reference and input builder live on the scoring server;
editing this copy changes nothing except your own understanding.
"""

import jax, jax.numpy as jnp
import numpy as np

FEAT_STRIDE = 16
PRE_NMS_TOPN = 6000
POST_NMS_TOPN = 300
NMS_THRESH = 0.7
MIN_SIZE = 0.0
H_FEAT = 64
W_FEAT = 64


def _generate_anchors(base_size=16, ratios=(0.5, 1.0, 2.0), scales=(8, 16, 32)):
    ratios = np.asarray(ratios, dtype=np.float64)
    scales = np.asarray(scales, dtype=np.float64)
    base = np.array([1, 1, base_size, base_size], dtype=np.float64) - 1
    w = base[2] - base[0] + 1
    h = base[3] - base[1] + 1
    x_ctr = base[0] + 0.5 * (w - 1)
    y_ctr = base[1] + 0.5 * (h - 1)
    size = w * h
    ws = np.round(np.sqrt(size / ratios))
    hs = np.round(ws * ratios)
    ratio_anchors = np.stack([x_ctr - 0.5 * (ws - 1), y_ctr - 0.5 * (hs - 1), x_ctr + 0.5 * (ws - 1), y_ctr + 0.5 * (hs - 1)], axis=1)
    out = []
    for a in ratio_anchors:
        w2 = a[2] - a[0] + 1
        h2 = a[3] - a[1] + 1
        xc = a[0] + 0.5 * (w2 - 1)
        yc = a[1] + 0.5 * (h2 - 1)
        ws2 = w2 * scales
        hs2 = h2 * scales
        out.append(np.stack([xc - 0.5 * (ws2 - 1), yc - 0.5 * (hs2 - 1), xc + 0.5 * (ws2 - 1), yc + 0.5 * (hs2 - 1)], axis=1))
    return np.vstack(out).astype(np.float32)

ANCHORS = _generate_anchors()
NUM_ANCHORS = ANCHORS.shape[0]


def setup_inputs(seed: int = 0):
    key = jax.random.key(seed)
    k1, k2, k3 = jax.random.split(key, 3)
    scores = jax.random.normal(k1, (1, 2 * NUM_ANCHORS, H_FEAT, W_FEAT), dtype=jnp.float32)
    bbox_deltas = jax.random.normal(k2, (1, 4 * NUM_ANCHORS, H_FEAT, W_FEAT), dtype=jnp.float32)
    im_info = jax.random.randint(k3, (3,), 0, 1024).astype(jnp.float32)
    return {"scores": scores, "bbox_deltas": bbox_deltas, "im_info": im_info}


def _nms_keep(boxes, thresh):
    n = boxes.shape[0]
    x1, y1, x2, y2 = boxes[:, 0], boxes[:, 1], boxes[:, 2], boxes[:, 3]
    areas = (x2 - x1) * (y2 - y1)
    xx1 = jnp.maximum(x1[:, None], x1[None, :])
    yy1 = jnp.maximum(y1[:, None], y1[None, :])
    xx2 = jnp.minimum(x2[:, None], x2[None, :])
    yy2 = jnp.minimum(y2[:, None], y2[None, :])
    inter = jnp.clip(xx2 - xx1, 0.0) * jnp.clip(yy2 - yy1, 0.0)
    iou = inter / (areas[:, None] + areas[None, :] - inter + 1e-12)
    idx = jnp.arange(n)
    def body(i, keep):
        suppress = keep[i] & (iou[i] > thresh) & (idx > i)
        return keep & (~suppress)
    return jax.lax.fori_loop(0, n, body, jnp.ones((n,), dtype=bool))


def reference(scores, bbox_deltas, im_info):
    anchors0 = jnp.asarray(ANCHORS)
    A = NUM_ANCHORS
    scores = scores[:, A:, :, :]
    H, W = scores.shape[-2], scores.shape[-1]
    shift_x = jnp.arange(W, dtype=jnp.float32) * FEAT_STRIDE
    shift_y = jnp.arange(H, dtype=jnp.float32) * FEAT_STRIDE
    sx, sy = jnp.meshgrid(shift_x, shift_y, indexing='ij')
    shifts = jnp.stack([sx.ravel(), sy.ravel(), sx.ravel(), sy.ravel()], axis=1)
    K = shifts.shape[0]
    anchors = (anchors0.reshape(1, A, 4) + shifts.reshape(K, 1, 4)).reshape(K * A, 4)
    deltas = jnp.transpose(bbox_deltas, (0, 2, 3, 1)).reshape(-1, 4)
    scr = jnp.transpose(scores, (0, 2, 3, 1)).reshape(-1)
    widths = anchors[:, 2] - anchors[:, 0] + 1.0
    heights = anchors[:, 3] - anchors[:, 1] + 1.0
    ctr_x = anchors[:, 0] + 0.5 * widths
    ctr_y = anchors[:, 1] + 0.5 * heights
    dx, dy, dw, dh = deltas[:, 0], deltas[:, 1], deltas[:, 2], deltas[:, 3]
    pcx = dx * widths + ctr_x
    pcy = dy * heights + ctr_y
    pw = jnp.exp(dw) * widths
    ph = jnp.exp(dh) * heights
    zero = jnp.float32(0.0)
    x1 = jnp.maximum(jnp.minimum(pcx - 0.5 * pw, im_info[1] - 1), zero)
    y1 = jnp.maximum(jnp.minimum(pcy - 0.5 * ph, im_info[0] - 1), zero)
    x2 = jnp.maximum(jnp.minimum(pcx + 0.5 * pw, im_info[1] - 1), zero)
    y2 = jnp.maximum(jnp.minimum(pcy + 0.5 * ph, im_info[0] - 1), zero)
    proposals = jnp.stack([x1, y1, x2, y2], axis=1)
    ws_ = x2 - x1 + 1.0
    hs_ = y2 - y1 + 1.0
    min_sz = MIN_SIZE * im_info[2]
    valid = (ws_ >= min_sz) & (hs_ >= min_sz)
    scr = jnp.where(valid, scr, -jnp.inf)
    order = jnp.argsort(-scr)[:PRE_NMS_TOPN]
    proposals = proposals[order]
    keep_mask = _nms_keep(jax.lax.stop_gradient(proposals), NMS_THRESH)
    keep_idx = jnp.nonzero(keep_mask, size=POST_NMS_TOPN, fill_value=0)[0]
    props = proposals[keep_idx]
    batch_inds = jnp.zeros((props.shape[0], 1), dtype=jnp.float32)
    return jnp.hstack([batch_inds, props])

if __name__ == "__main__":
    import jax
    _d = setup_inputs()
    print(jax.jit(kernel)(*tuple(_d.values())))

</pallas_src>

<mosaic_0001>
#map = affine_map<(d0, d1) -> (0)>
#map1 = affine_map<(d0, d1) -> (0, 0)>
module attributes {stable_mosaic.version = 14 : i64} {
  func.func @_compact_kernel(%arg0: i32, %arg1: i32, %arg2: memref<36864xi32, #tpu.memory_space<hbm>>, %arg3: memref<36864x8xf32, #tpu.memory_space<hbm>>, %arg4: memref<43008x8xf32, #tpu.memory_space<hbm>>, %arg5: memref<2304xi32, #tpu.memory_space<vmem>>, %arg6: memref<2304xi32, #tpu.memory_space<vmem>>, %arg7: memref<2304xi32, #tpu.memory_space<vmem>>, %arg8: memref<2304x8xf32, #tpu.memory_space<vmem>>, %arg9: memref<16xi32, #tpu.memory_space<vmem>>, %arg10: memref<16x16xi32, #tpu.memory_space<vmem>>, %arg11: memref<16x16xi32, #tpu.memory_space<vmem_shared>>, %arg12: memref<!tpu.dma_semaphore, #tpu.memory_space<semaphore_mem>>, %arg13: memref<!tpu.dma_semaphore, #tpu.memory_space<semaphore_mem>>) attributes {dimension_semantics = [#tpu.dimension_semantics<core_parallel>, #tpu.dimension_semantics<subcore_parallel>], iteration_bounds = array<i64: 2, 16>, scalar_prefetch = 0 : i64, scratch_operands = 9 : i64, tpu.core_type = #tpu.core_type<sc_vector_subcore>, window_params = [{transform_indices = #map}, {transform_indices = #map1}, {transform_indices = #map1}]} {
    %eq3A = arith.constant 0 : i32
    %eq3A_0 = arith.cmpi eq, %arg0, %eq3A : i32
    %convert_element_type3A = arith.extui %eq3A_0 : i1 to i32
    %cond3A = arith.constant 0 : i32
    %cond3A_1 = arith.cmpi ne, %convert_element_type3A, %cond3A : i32
    scf.if %cond3A_1 {
      %mul3A = arith.constant 2304 : i32
      %mul3A_2 = arith.muli %arg1, %mul3A : i32
      "tpu.region"() ({
        %run_scoped3A = tpu.sem_alloc : memref<!tpu.dma_semaphore, #tpu.memory_space<semaphore_mem>>
        %dma_start3A_175 = tpu.memref_slice %arg2[%mul3A_2] : memref<36864xi32, #tpu.memory_space<hbm>> -> memref<2304xi32, #tpu.memory_space<hbm>>
        %dma_start3A_176 = tpu.memref_slice %arg2[%mul3A_2] : memref<36864xi32, #tpu.memory_space<hbm>> -> memref<2304xi32, #tpu.memory_space<hbm>>
        tpu.enqueue_dma source(%dma_start3A_176 : memref<2304xi32, #tpu.memory_space<hbm>>) target(%arg5 : memref<2304xi32, #tpu.memory_space<vmem>>) target_semaphore(%run_scoped3A : memref<!tpu.dma_semaphore, #tpu.memory_space<semaphore_mem>>)
        %dma_wait3A_177 = tpu.memref_slice %arg2[%mul3A_2] : memref<36864xi32, #tpu.memory_space<hbm>> -> memref<2304xi32, #tpu.memory_space<hbm>>
        %dma_wait3A_178 = tpu.memref_slice %arg2[%mul3A_2] : memref<36864xi32, #tpu.memory_space<hbm>> -> memref<2304xi32, #tpu.memory_space<hbm>>
        tpu.wait_dma2 semaphore(%run_scoped3A : memref<!tpu.dma_semaphore, #tpu.memory_space<semaphore_mem>>) src(%dma_wait3A_178 : memref<2304xi32, #tpu.memory_space<hbm>>) dst(%arg5 : memref<2304xi32, #tpu.memory_space<vmem>>)
        tpu.yield
      }) : () -> ()
      %iota3A = tpu.iota {dimensions = array<i32: 0>} : vector<16xi32>
      %broadcast_in_dim3A = arith.constant 0 : i32
      %broadcast_in_dim3A_3 = vector.broadcast %broadcast_in_dim3A : i32 to vector<16xi32>
      %scan3A = arith.constant 0 : i32
      %scan3A_4 = arith.constant 0 : i32
      %scan3A_5 = arith.constant 144 : i32
      %scan3A_6 = arith.addi %scan3A_4, %scan3A_5 : i32
      %scan3A_7 = arith.constant 1 : i32
      scf.for %scan3A_175 = %scan3A_4 to %scan3A_6 step %scan3A_7  : i32 {
        %mul3A_176 = arith.constant 16 : i32
        %mul3A_177 = arith.muli %scan3A_175, %mul3A_176 : i32
        %add3A_178 = arith.addi %mul3A_2, %mul3A_177 : i32
        %add3A_179 = vector.broadcast %add3A_178 : i32 to vector<16xi32>
        %add3A_180 = arith.addi %add3A_179, %iota3A : vector<16xi32>
        %mul3A_181 = arith.constant 16 : i32
        %mul3A_182 = arith.muli %scan3A_175, %mul3A_181 : i32
        %swap3A_183 = arith.index_cast %mul3A_182 : i32 to index
        %swap3A_184 = tpu.vector_load %arg6[%swap3A_183] {strides = array<i32>} : memref<2304xi32, #tpu.memory_space<vmem>>, vector<16xi32>,
        tpu.vector_store %arg6[%swap3A_183], %add3A_180 {strides = array<i32>} : memref<2304xi32, #tpu.memory_space<vmem>>, vector<16xi32>,
      }
      %scan3A_8 = arith.constant 144 : i32
      %scan3A_9 = arith.constant 0 : i32
      %scan3A_10 = arith.constant 144 : i32
      %scan3A_11 = arith.addi %scan3A_9, %scan3A_10 : i32
      %scan3A_12 = arith.constant 1 : i32
      %scan3A_13 = scf.for %scan3A_175 = %scan3A_9 to %scan3A_11 step %scan3A_12 iter_args(%scan3A_176 = %broadcast_in_dim3A_3) -> (vector<16xi32>)  : i32 {
        %mul3A_177 = arith.constant 16 : i32
        %mul3A_178 = arith.muli %scan3A_175, %mul3A_177 : i32
        %get3A_179 = arith.index_cast %mul3A_178 : i32 to index
        %get3A_180 = tpu.vector_load %arg5[%get3A_179] {strides = array<i32>} : memref<2304xi32, #tpu.memory_space<vmem>>, vector<16xi32>,
        %ne3A = arith.constant -2147483648 : i32
        %ne3A_181 = vector.broadcast %ne3A : i32 to vector<16xi32>
        %ne3A_182 = arith.cmpi ne, %get3A_180, %ne3A_181 : vector<16xi32>
        %convert_element_type3A_183 = arith.extui %ne3A_182 : vector<16xi1> to vector<16xi32>
        %cumsum3A = arith.constant true
        %cumsum3A_184 = vector.broadcast %cumsum3A : i1 to vector<16xi1>
        %cumsum3A_185 = tpu.scan <sum>, %convert_element_type3A_183 masked %cumsum3A_184 : vector<16xi32>, vector<16xi1> -> vector<16xi32>
        %add3A_186 = arith.addi %scan3A_176, %cumsum3A_185 : vector<16xi32>
        %sub3A = arith.constant 1 : i32
        %sub3A_187 = vector.broadcast %sub3A : i32 to vector<16xi32>
        %sub3A_188 = arith.subi %add3A_186, %sub3A_187 : vector<16xi32>
        %mul3A_189 = arith.constant 16 : i32
        %mul3A_190 = arith.muli %scan3A_175, %mul3A_189 : i32
        %add3A_191 = arith.addi %mul3A_2, %mul3A_190 : i32
        %add3A_192 = vector.broadcast %add3A_191 : i32 to vector<16xi32>
        %add3A_193 = arith.addi %add3A_192, %iota3A : vector<16xi32>
        tpu.vector_store_idx %arg6[%sub3A_188], %add3A_193 masked %ne3A_182 : memref<2304xi32, #tpu.memory_space<vmem>>[vector<16xi32>], vector<16xi32>, vector<16xi1>
        %all_reduce_population_count3A = tpu.all_reduce %ne3A_182 {dim = 0 : i64, kind = #tpu.reduction_kind<sum>} : vector<16xi1> -> vector<16xi32>
        %add3A_194 = arith.addi %scan3A_176, %all_reduce_population_count3A : vector<16xi32>
        scf.yield %add3A_194 : vector<16xi32>
      }
      %scan3A_14 = arith.constant 144 : i32
      %swap3A = arith.constant 0 : index
      %swap3A_15 = tpu.vector_load %arg9[%swap3A] {strides = array<i32>} : memref<16xi32, #tpu.memory_space<vmem>>, vector<16xi32>,
      tpu.vector_store %arg9[%swap3A], %scan3A_13 {strides = array<i32>} : memref<16xi32, #tpu.memory_space<vmem>>, vector<16xi32>,
      "tpu.region"() ({
        %run_scoped3A = tpu.sem_alloc : memref<!tpu.dma_semaphore, #tpu.memory_space<semaphore_mem>>
        %dma_start3A_175 = arith.constant 0 : i32
        %dma_start3A_176 = tpu.memref_slice %arg11[%arg1, %dma_start3A_175] : memref<16x16xi32, #tpu.memory_space<vmem_shared>> -> memref<1x16xi32, #tpu.memory_space<vmem_shared>>
        %dma_start3A_177 = tpu.memref_squeeze %dma_start3A_176 : memref<1x16xi32, #tpu.memory_space<vmem_shared>> -> memref<16xi32, #tpu.memory_space<vmem_shared>>
        %dma_start3A_178 = arith.constant 0 : i32
        %dma_start3A_179 = tpu.memref_slice %arg11[%arg1, %dma_start3A_178] : memref<16x16xi32, #tpu.memory_space<vmem_shared>> -> memref<1x16xi32, #tpu.memory_space<vmem_shared>>
        %dma_start3A_180 = tpu.memref_squeeze %dma_start3A_179 : memref<1x16xi32, #tpu.memory_space<vmem_shared>> -> memref<16xi32, #tpu.memory_space<vmem_shared>>
        tpu.enqueue_dma source(%arg9 : memref<16xi32, #tpu.memory_space<vmem>>) target(%dma_start3A_180 : memref<16xi32, #tpu.memory_space<vmem_shared>>) target_semaphore(%run_scoped3A : memref<!tpu.dma_semaphore, #tpu.memory_space<semaphore_mem>>)
        %dma_wait3A_181 = arith.constant 0 : i32
        %dma_wait3A_182 = tpu.memref_slice %arg11[%arg1, %dma_wait3A_181] : memref<16x16xi32, #tpu.memory_space<vmem_shared>> -> memref<1x16xi32, #tpu.memory_space<vmem_shared>>
        %dma_wait3A_183 = tpu.memref_squeeze %dma_wait3A_182 : memref<1x16xi32, #tpu.memory_space<vmem_shared>> -> memref<16xi32, #tpu.memory_space<vmem_shared>>
        %dma_wait3A_184 = arith.constant 0 : i32
        %dma_wait3A_185 = tpu.memref_slice %arg11[%arg1, %dma_wait3A_184] : memref<16x16xi32, #tpu.memory_space<vmem_shared>> -> memref<1x16xi32, #tpu.memory_space<vmem_shared>>
        %dma_wait3A_186 = tpu.memref_squeeze %dma_wait3A_185 : memref<1x16xi32, #tpu.memory_space<vmem_shared>> -> memref<16xi32, #tpu.memory_space<vmem_shared>>
        tpu.wait_dma2 semaphore(%run_scoped3A : memref<!tpu.dma_semaphore, #tpu.memory_space<semaphore_mem>>) src(%arg9 : memref<16xi32, #tpu.memory_space<vmem>>) dst(%dma_wait3A_186 : memref<16xi32, #tpu.memory_space<vmem_shared>>)
        tpu.yield
      }) : () -> ()
      %barrier3A = arith.constant 0 : index
      tpu.barrier barrier_id(%barrier3A)
      "tpu.region"() ({
        %run_scoped3A = tpu.sem_alloc : memref<!tpu.dma_semaphore, #tpu.memory_space<semaphore_mem>>
        tpu.enqueue_dma source(%arg11 : memref<16x16xi32, #tpu.memory_space<vmem_shared>>) target(%arg10 : memref<16x16xi32, #tpu.memory_space<vmem>>) target_semaphore(%run_scoped3A : memref<!tpu.dma_semaphore, #tpu.memory_space<semaphore_mem>>)
        tpu.wait_dma2 semaphore(%run_scoped3A : memref<!tpu.dma_semaphore, #tpu.memory_space<semaphore_mem>>) src(%arg11 : memref<16x16xi32, #tpu.memory_space<vmem_shared>>) dst(%arg10 : memref<16x16xi32, #tpu.memory_space<vmem>>)
        tpu.yield
      }) : () -> ()
      %broadcast_in_dim3A_16 = vector.broadcast %arg1 : i32 to vector<16xi32>
      %broadcast_in_dim3A_17 = arith.constant 0 : i32
      %broadcast_in_dim3A_18 = vector.broadcast %broadcast_in_dim3A_17 : i32 to vector<16xi32>
      %gt3A = arith.constant 0 : i32
      %gt3A_19 = vector.broadcast %gt3A : i32 to vector<16xi32>
      %gt3A_20 = arith.cmpi sgt, %broadcast_in_dim3A_16, %gt3A_19 : vector<16xi32>
      %get3A = arith.constant 0 : i32
      %get3A_21 = arith.index_cast %get3A : i32 to index
      %get3A_22 = arith.constant 0 : index
      %get3A_23 = tpu.vector_load %arg10[%get3A_21, %get3A_22] {strides = array<i32>} : memref<16x16xi32, #tpu.memory_space<vmem>>, vector<16xi32>,
      %select_n3A = arith.select %gt3A_20, %get3A_23, %broadcast_in_dim3A_3 : vector<16xi1>, vector<16xi32>
      %add3A = arith.addi %broadcast_in_dim3A_18, %select_n3A : vector<16xi32>
      %gt3A_24 = arith.constant 1 : i32
      %gt3A_25 = vector.broadcast %gt3A_24 : i32 to vector<16xi32>
      %gt3A_26 = arith.cmpi sgt, %broadcast_in_dim3A_16, %gt3A_25 : vector<16xi32>
      %get3A_27 = arith.constant 1 : i32
      %get3A_28 = arith.index_cast %get3A_27 : i32 to index
      %get3A_29 = arith.constant 0 : index
      %get3A_30 = tpu.vector_load %arg10[%get3A_28, %get3A_29] {strides = array<i32>} : memref<16x16xi32, #tpu.memory_space<vmem>>, vector<16xi32>,
      %select_n3A_31 = arith.select %gt3A_26, %get3A_30, %broadcast_in_dim3A_3 : vector<16xi1>, vector<16xi32>
      %add3A_32 = arith.addi %add3A, %select_n3A_31 : vector<16xi32>
      %gt3A_33 = arith.constant 2 : i32
      %gt3A_34 = vector.broadcast %gt3A_33 : i32 to vector<16xi32>
      %gt3A_35 = arith.cmpi sgt, %broadcast_in_dim3A_16, %gt3A_34 : vector<16xi32>
      %get3A_36 = arith.constant 2 : i32
      %get3A_37 = arith.index_cast %get3A_36 : i32 to index
      %get3A_38 = arith.constant 0 : index
      %get3A_39 = tpu.vector_load %arg10[%get3A_37, %get3A_38] {strides = array<i32>} : memref<16x16xi32, #tpu.memory_space<vmem>>, vector<16xi32>,
      %select_n3A_40 = arith.select %gt3A_35, %get3A_39, %broadcast_in_dim3A_3 : vector<16xi1>, vector<16xi32>
      %add3A_41 = arith.addi %add3A_32, %select_n3A_40 : vector<16xi32>
      %gt3A_42 = arith.constant 3 : i32
      %gt3A_43 = vector.broadcast %gt3A_42 : i32 to vector<16xi32>
      %gt3A_44 = arith.cmpi sgt, %broadcast_in_dim3A_16, %gt3A_43 : vector<16xi32>
      %get3A_45 = arith.constant 3 : i32
      %get3A_46 = arith.index_cast %get3A_45 : i32 to index
      %get3A_47 = arith.constant 0 : index
      %get3A_48 = tpu.vector_load %arg10[%get3A_46, %get3A_47] {strides = array<i32>} : memref<16x16xi32, #tpu.memory_space<vmem>>, vector<16xi32>,
      %select_n3A_49 = arith.select %gt3A_44, %get3A_48, %broadcast_in_dim3A_3 : vector<16xi1>, vector<16xi32>
      %add3A_50 = arith.addi %add3A_41, %select_n3A_49 : vector<16xi32>
      %gt3A_51 = arith.constant 4 : i32
      %gt3A_52 = vector.broadcast %gt3A_51 : i32 to vector<16xi32>
      %gt3A_53 = arith.cmpi sgt, %broadcast_in_dim3A_16, %gt3A_52 : vector<16xi32>
      %get3A_54 = arith.constant 4 : i32
      %get3A_55 = arith.index_cast %get3A_54 : i32 to index
      %get3A_56 = arith.constant 0 : index
      %get3A_57 = tpu.vector_load %arg10[%get3A_55, %get3A_56] {strides = array<i32>} : memref<16x16xi32, #tpu.memory_space<vmem>>, vector<16xi32>,
      %select_n3A_58 = arith.select %gt3A_53, %get3A_57, %broadcast_in_dim3A_3 : vector<16xi1>, vector<16xi32>
      %add3A_59 = arith.addi %add3A_50, %select_n3A_58 : vector<16xi32>
      %gt3A_60 = arith.constant 5 : i32
      %gt3A_61 = vector.broadcast %gt3A_60 : i32 to vector<16xi32>
      %gt3A_62 = arith.cmpi sgt, %broadcast_in_dim3A_16, %gt3A_61 : vector<16xi32>
      %get3A_63 = arith.constant 5 : i32
      %get3A_64 = arith.index_cast %get3A_63 : i32 to index
      %get3A_65 = arith.constant 0 : index
      %get3A_66 = tpu.vector_load %arg10[%get3A_64, %get3A_65] {strides = array<i32>} : memref<16x16xi32, #tpu.memory_space<vmem>>, vector<16xi32>,
      %select_n3A_67 = arith.select %gt3A_62, %get3A_66, %broadcast_in_dim3A_3 : vector<16xi1>, vector<16xi32>
      %add3A_68 = arith.addi %add3A_59, %select_n3A_67 : vector<16xi32>
      %gt3A_69 = arith.constant 6 : i32
      %gt3A_70 = vector.broadcast %gt3A_69 : i32 to vector<16xi32>
      %gt3A_71 = arith.cmpi sgt, %broadcast_in_dim3A_16, %gt3A_70 : vector<16xi32>
      %get3A_72 = arith.constant 6 : i32
      %get3A_73 = arith.index_cast %get3A_72 : i32 to index
      %get3A_74 = arith.constant 0 : index
      %get3A_75 = tpu.vector_load %arg10[%get3A_73, %get3A_74] {strides = array<i32>} : memref<16x16xi32, #tpu.memory_space<vmem>>, vector<16xi32>,
      %select_n3A_76 = arith.select %gt3A_71, %get3A_75, %broadcast_in_dim3A_3 : vector<16xi1>, vector<16xi32>
      %add3A_77 = arith.addi %add3A_68, %select_n3A_76 : vector<16xi32>
      %gt3A_78 = arith.constant 7 : i32
      %gt3A_79 = vector.broadcast %gt3A_78 : i32 to vector<16xi32>
      %gt3A_80 = arith.cmpi sgt, %broadcast_in_dim3A_16, %gt3A_79 : vector<16xi32>
      %get3A_81 = arith.constant 7 : i32
      %get3A_82 = arith.index_cast %get3A_81 : i32 to index
      %get3A_83 = arith.constant 0 : index
      %get3A_84 = tpu.vector_load %arg10[%get3A_82, %get3A_83] {strides = array<i32>} : memref<16x16xi32, #tpu.memory_space<vmem>>, vector<16xi32>,
      %select_n3A_85 = arith.select %gt3A_80, %get3A_84, %broadcast_in_dim3A_3 : vector<16xi1>, vector<16xi32>
      %add3A_86 = arith.addi %add3A_77, %select_n3A_85 : vector<16xi32>
      %gt3A_87 = arith.constant 8 : i32
      %gt3A_88 = vector.broadcast %gt3A_87 : i32 to vector<16xi32>
      %gt3A_89 = arith.cmpi sgt, %broadcast_in_dim3A_16, %gt3A_88 : vector<16xi32>
      %get3A_90 = arith.constant 8 : i32
      %get3A_91 = arith.index_cast %get3A_90 : i32 to index
      %get3A_92 = arith.constant 0 : index
      %get3A_93 = tpu.vector_load %arg10[%get3A_91, %get3A_92] {strides = array<i32>} : memref<16x16xi32, #tpu.memory_space<vmem>>, vector<16xi32>,
      %select_n3A_94 = arith.select %gt3A_89, %get3A_93, %broadcast_in_dim3A_3 : vector<16xi1>, vector<16xi32>
      %add3A_95 = arith.addi %add3A_86, %select_n3A_94 : vector<16xi32>
      %gt3A_96 = arith.constant 9 : i32
      %gt3A_97 = vector.broadcast %gt3A_96 : i32 to vector<16xi32>
      %gt3A_98 = arith.cmpi sgt, %broadcast_in_dim3A_16, %gt3A_97 : vector<16xi32>
      %get3A_99 = arith.constant 9 : i32
      %get3A_100 = arith.index_cast %get3A_99 : i32 to index
      %get3A_101 = arith.constant 0 : index
      %get3A_102 = tpu.vector_load %arg10[%get3A_100, %get3A_101] {strides = array<i32>} : memref<16x16xi32, #tpu.memory_space<vmem>>, vector<16xi32>,
      %select_n3A_103 = arith.select %gt3A_98, %get3A_102, %broadcast_in_dim3A_3 : vector<16xi1>, vector<16xi32>
      %add3A_104 = arith.addi %add3A_95, %select_n3A_103 : vector<16xi32>
      %gt3A_105 = arith.constant 10 : i32
      %gt3A_106 = vector.broadcast %gt3A_105 : i32 to vector<16xi32>
      %gt3A_107 = arith.cmpi sgt, %broadcast_in_dim3A_16, %gt3A_106 : vector<16xi32>
      %get3A_108 = arith.constant 10 : i32
      %get3A_109 = arith.index_cast %get3A_108 : i32 to index
      %get3A_110 = arith.constant 0 : index
      %get3A_111 = tpu.vector_load %arg10[%get3A_109, %get3A_110] {strides = array<i32>} : memref<16x16xi32, #tpu.memory_space<vmem>>, vector<16xi32>,
      %select_n3A_112 = arith.select %gt3A_107, %get3A_111, %broadcast_in_dim3A_3 : vector<16xi1>, vector<16xi32>
      %add3A_113 = arith.addi %add3A_104, %select_n3A_112 : vector<16xi32>
      %gt3A_114 = arith.constant 11 : i32
      %gt3A_115 = vector.broadcast %gt3A_114 : i32 to vector<16xi32>
      %gt3A_116 = arith.cmpi sgt, %broadcast_in_dim3A_16, %gt3A_115 : vector<16xi32>
      %get3A_117 = arith.constant 11 : i32
      %get3A_118 = arith.index_cast %get3A_117 : i32 to index
      %get3A_119 = arith.constant 0 : index
      %get3A_120 = tpu.vector_load %arg10[%get3A_118, %get3A_119] {strides = array<i32>} : memref<16x16xi32, #tpu.memory_space<vmem>>, vector<16xi32>,
      %select_n3A_121 = arith.select %gt3A_116, %get3A_120, %broadcast_in_dim3A_3 : vector<16xi1>, vector<16xi32>
      %add3A_122 = arith.addi %add3A_113, %select_n3A_121 : vector<16xi32>
      %gt3A_123 = arith.constant 12 : i32
      %gt3A_124 = vector.broadcast %gt3A_123 : i32 to vector<16xi32>
      %gt3A_125 = arith.cmpi sgt, %broadcast_in_dim3A_16, %gt3A_124 : vector<16xi32>
      %get3A_126 = arith.constant 12 : i32
      %get3A_127 = arith.index_cast %get3A_126 : i32 to index
      %get3A_128 = arith.constant 0 : index
      %get3A_129 = tpu.vector_load %arg10[%get3A_127, %get3A_128] {strides = array<i32>} : memref<16x16xi32, #tpu.memory_space<vmem>>, vector<16xi32>,
      %select_n3A_130 = arith.select %gt3A_125, %get3A_129, %broadcast_in_dim3A_3 : vector<16xi1>, vector<16xi32>
      %add3A_131 = arith.addi %add3A_122, %select_n3A_130 : vector<16xi32>
      %gt3A_132 = arith.constant 13 : i32
      %gt3A_133 = vector.broadcast %gt3A_132 : i32 to vector<16xi32>
      %gt3A_134 = arith.cmpi sgt, %broadcast_in_dim3A_16, %gt3A_133 : vector<16xi32>
      %get3A_135 = arith.constant 13 : i32
      %get3A_136 = arith.index_cast %get3A_135 : i32 to index
      %get3A_137 = arith.constant 0 : index
      %get3A_138 = tpu.vector_load %arg10[%get3A_136, %get3A_137] {strides = array<i32>} : memref<16x16xi32, #tpu.memory_space<vmem>>, vector<16xi32>,
      %select_n3A_139 = arith.select %gt3A_134, %get3A_138, %broadcast_in_dim3A_3 : vector<16xi1>, vector<16xi32>
      %add3A_140 = arith.addi %add3A_131, %select_n3A_139 : vector<16xi32>
      %gt3A_141 = arith.constant 14 : i32
      %gt3A_142 = vector.broadcast %gt3A_141 : i32 to vector<16xi32>
      %gt3A_143 = arith.cmpi sgt, %broadcast_in_dim3A_16, %gt3A_142 : vector<16xi32>
      %get3A_144 = arith.constant 14 : i32
      %get3A_145 = arith.index_cast %get3A_144 : i32 to index
      %get3A_146 = arith.constant 0 : index
      %get3A_147 = tpu.vector_load %arg10[%get3A_145, %get3A_146] {strides = array<i32>} : memref<16x16xi32, #tpu.memory_space<vmem>>, vector<16xi32>,
      %select_n3A_148 = arith.select %gt3A_143, %get3A_147, %broadcast_in_dim3A_3 : vector<16xi1>, vector<16xi32>
      %add3A_149 = arith.addi %add3A_140, %select_n3A_148 : vector<16xi32>
      %gt3A_150 = arith.constant 15 : i32
      %gt3A_151 = vector.broadcast %gt3A_150 : i32 to vector<16xi32>
      %gt3A_152 = arith.cmpi sgt, %broadcast_in_dim3A_16, %gt3A_151 : vector<16xi32>
      %get3A_153 = arith.constant 15 : i32
      %get3A_154 = arith.index_cast %get3A_153 : i32 to index
      %get3A_155 = arith.constant 0 : index
      %get3A_156 = tpu.vector_load %arg10[%get3A_154, %get3A_155] {strides = array<i32>} : memref<16x16xi32, #tpu.memory_space<vmem>>, vector<16xi32>,
      %select_n3A_157 = arith.select %gt3A_152, %get3A_156, %broadcast_in_dim3A_3 : vector<16xi1>, vector<16xi32>
      %add3A_158 = arith.addi %add3A_149, %select_n3A_157 : vector<16xi32>
      %scan3A_159 = arith.constant 0 : i32
      %scan3A_160 = arith.constant 0 : i32
      %scan3A_161 = arith.constant 144 : i32
      %scan3A_162 = arith.addi %scan3A_160, %scan3A_161 : i32
      %scan3A_163 = arith.constant 1 : i32
      scf.for %scan3A_175 = %scan3A_160 to %scan3A_162 step %scan3A_163  : i32 {
        %mul3A_176 = arith.constant 16 : i32
        %mul3A_177 = arith.muli %scan3A_175, %mul3A_176 : i32
        %add3A_178 = vector.broadcast %mul3A_177 : i32 to vector<16xi32>
        %add3A_179 = arith.addi %add3A_178, %iota3A : vector<16xi32>
        %lt3A = arith.cmpi slt, %add3A_179, %scan3A_13 : vector<16xi32>
        %add3A_180 = arith.addi %add3A_158, %add3A_179 : vector<16xi32>
        %add3A_181 = arith.constant 6144 : i32
        %add3A_182 = arith.addi %add3A_181, %mul3A_2 : i32
        %add3A_183 = vector.broadcast %add3A_182 : i32 to vector<16xi32>
        %add3A_184 = arith.addi %add3A_183, %add3A_179 : vector<16xi32>
        %select_n3A_185 = arith.select %lt3A, %add3A_180, %add3A_184 : vector<16xi1>, vector<16xi32>
        %mul3A_186 = arith.constant 16 : i32
        %mul3A_187 = arith.muli %scan3A_175, %mul3A_186 : i32
        %swap3A_188 = arith.index_cast %mul3A_187 : i32 to index
        %swap3A_189 = tpu.vector_load %arg7[%swap3A_188] {strides = array<i32>} : memref<2304xi32, #tpu.memory_space<vmem>>, vector<16xi32>,
        tpu.vector_store %arg7[%swap3A_188], %select_n3A_185 {strides = array<i32>} : memref<2304xi32, #tpu.memory_space<vmem>>, vector<16xi32>,
      }
      %scan3A_164 = arith.constant 144 : i32
      %dma_start3A = arith.constant 0 : i32
      %dma_start3A_165 = arith.constant 0 : i32
      %dma_start3A_166 = tpu.memref_slice %arg3[%dma_start3A, %dma_start3A_165] : memref<36864x8xf32, #tpu.memory_space<hbm>> -> memref<36864x8xf32, #tpu.memory_space<hbm>>
      tpu.enqueue_indirect_dma source(%dma_start3A_166 : memref<36864x8xf32, #tpu.memory_space<hbm>>) target(%arg8 : memref<2304x8xf32, #tpu.memory_space<vmem>>) offsets(%arg6 : memref<2304xi32, #tpu.memory_space<vmem>>) semaphore(%arg12 : memref<!tpu.dma_semaphore, #tpu.memory_space<semaphore_mem>>)
      %dma_wait3A = arith.constant 0 : i32
      %dma_wait3A_167 = arith.constant 0 : i32
      %dma_wait3A_168 = tpu.memref_slice %arg3[%dma_wait3A, %dma_wait3A_167] : memref<36864x8xf32, #tpu.memory_space<hbm>> -> memref<36864x8xf32, #tpu.memory_space<hbm>>
      tpu.wait_indirect_dma semaphore(%arg12 : memref<!tpu.dma_semaphore, #tpu.memory_space<semaphore_mem>>) src(%dma_wait3A_168 : memref<36864x8xf32, #tpu.memory_space<hbm>>) dst(%arg8 : memref<2304x8xf32, #tpu.memory_space<vmem>>)
      %dma_start3A_169 = arith.constant 0 : i32
      %dma_start3A_170 = arith.constant 0 : i32
      %dma_start3A_171 = tpu.memref_slice %arg4[%dma_start3A_169, %dma_start3A_170] : memref<43008x8xf32, #tpu.memory_space<hbm>> -> memref<43008x8xf32, #tpu.memory_space<hbm>>
      tpu.enqueue_indirect_dma source(%arg8 : memref<2304x8xf32, #tpu.memory_space<vmem>>) target(%dma_start3A_171 : memref<43008x8xf32, #tpu.memory_space<hbm>>) offsets(%arg7 : memref<2304xi32, #tpu.memory_space<vmem>>) semaphore(%arg13 : memref<!tpu.dma_semaphore, #tpu.memory_space<semaphore_mem>>)
      %dma_wait3A_172 = arith.constant 0 : i32
      %dma_wait3A_173 = arith.constant 0 : i32
      %dma_wait3A_174 = tpu.memref_slice %arg4[%dma_wait3A_172, %dma_wait3A_173] : memref<43008x8xf32, #tpu.memory_space<hbm>> -> memref<43008x8xf32, #tpu.memory_space<hbm>>
      tpu.wait_indirect_dma semaphore(%arg13 : memref<!tpu.dma_semaphore, #tpu.memory_space<semaphore_mem>>) src(%arg8 : memref<2304x8xf32, #tpu.memory_space<vmem>>) dst(%dma_wait3A_174 : memref<43008x8xf32, #tpu.memory_space<hbm>>)
    } else {
    }
    return
  }
}

module attributes {stable_mosaic.version = 14 : i64} {
  func.func @_decode_select_kernel(%arg0: memref<9x4096xf32, #tpu.memory_space<vmem>>, %arg1: memref<9x4096xf32, #tpu.memory_space<vmem>>, %arg2: memref<9x4096xf32, #tpu.memory_space<vmem>>, %arg3: memref<9x4096xf32, #tpu.memory_space<vmem>>, %arg4: memref<9x4096xf32, #tpu.memory_space<vmem>>, %arg5: memref<9x1xf32, #tpu.memory_space<vmem>>, %arg6: memref<9x1xf32, #tpu.memory_space<vmem>>, %arg7: memref<9x1xf32, #tpu.memory_space<vmem>>, %arg8: memref<9x1xf32, #tpu.memory_space<vmem>>, %arg9: memref<3xf32, #tpu.memory_space<smem>>, %arg10: memref<9x4096xf32, #tpu.memory_space<vmem>>, %arg11: memref<9x4096xf32, #tpu.memory_space<vmem>>, %arg12: memref<9x4096xf32, #tpu.memory_space<vmem>>, %arg13: memref<9x4096xf32, #tpu.memory_space<vmem>>, %arg14: memref<9x4096xi32, #tpu.memory_space<vmem>>, %arg15: memref<9x4096xi32, #tpu.memory_space<vmem>>) attributes {dimension_semantics = [], scalar_prefetch = 0 : i64, scratch_operands = 0 : i64, tpu.core_type = #tpu.core_type<tc>} {
    %iota3A = tpu.iota {dimensions = array<i32: 1>} : vector<9x4096xi32>
    %iota3A_0 = tpu.iota {dimensions = array<i32: 0>} : vector<9x4096xi32>
    %shift_right_arithmetic3A = arith.constant 6 : i32
    %shift_right_arithmetic3A_1 = vector.broadcast %shift_right_arithmetic3A : i32 to vector<9x4096xi32>
    %shift_right_arithmetic3A_2 = arith.shrsi %iota3A, %shift_right_arithmetic3A_1 : vector<9x4096xi32>
    %shift_left3A = arith.constant 4 : i32
    %shift_left3A_3 = vector.broadcast %shift_left3A : i32 to vector<9x4096xi32>
    %shift_left3A_4 = arith.shli %shift_right_arithmetic3A_2, %shift_left3A_3 : vector<9x4096xi32>
    %convert_element_type3A = arith.sitofp %shift_left3A_4 : vector<9x4096xi32> to vector<9x4096xf32>
    %and3A = arith.constant 63 : i32
    %and3A_5 = vector.broadcast %and3A : i32 to vector<9x4096xi32>
    %and3A_6 = arith.andi %iota3A, %and3A_5 : vector<9x4096xi32>
    %shift_left3A_7 = arith.constant 4 : i32
    %shift_left3A_8 = vector.broadcast %shift_left3A_7 : i32 to vector<9x4096xi32>
    %shift_left3A_9 = arith.shli %and3A_6, %shift_left3A_8 : vector<9x4096xi32>
    %convert_element_type3A_10 = arith.sitofp %shift_left3A_9 : vector<9x4096xi32> to vector<9x4096xf32>
    %get3A = arith.constant 0 : index
    %get3A_11 = arith.constant 0 : index
    %get3A_12 = vector.load %arg5[%get3A, %get3A_11] : memref<9x1xf32, #tpu.memory_space<vmem>>, vector<9x1xf32>
    %add3A = vector.broadcast %get3A_12 : vector<9x1xf32> to vector<9x4096xf32>
    %add3A_13 = arith.addf %add3A, %convert_element_type3A : vector<9x4096xf32>
    %get3A_14 = arith.constant 0 : index
    %get3A_15 = arith.constant 0 : index
    %get3A_16 = vector.load %arg6[%get3A_14, %get3A_15] : memref<9x1xf32, #tpu.memory_space<vmem>>, vector<9x1xf32>
    %add3A_17 = vector.broadcast %get3A_16 : vector<9x1xf32> to vector<9x4096xf32>
    %add3A_18 = arith.addf %add3A_17, %convert_element_type3A_10 : vector<9x4096xf32>
    %get3A_19 = arith.constant 0 : index
    %get3A_20 = arith.constant 0 : index
    %get3A_21 = vector.load %arg7[%get3A_19, %get3A_20] : memref<9x1xf32, #tpu.memory_space<vmem>>, vector<9x1xf32>
    %add3A_22 = vector.broadcast %get3A_21 : vector<9x1xf32> to vector<9x4096xf32>
    %add3A_23 = arith.addf %add3A_22, %convert_element_type3A : vector<9x4096xf32>
    %get3A_24 = arith.constant 0 : index
    %get3A_25 = arith.constant 0 : index
    %get3A_26 = vector.load %arg8[%get3A_24, %get3A_25] : memref<9x1xf32, #tpu.memory_space<vmem>>, vector<9x1xf32>
    %add3A_27 = vector.broadcast %get3A_26 : vector<9x1xf32> to vector<9x4096xf32>
    %add3A_28 = arith.addf %add3A_27, %convert_element_type3A_10 : vector<9x4096xf32>
    %sub3A = arith.subf %add3A_23, %add3A_13 : vector<9x4096xf32>
    %add3A_29 = arith.constant 1.000000e+00 : f32
    %add3A_30 = vector.broadcast %add3A_29 : f32 to vector<9x4096xf32>
    %add3A_31 = arith.addf %sub3A, %add3A_30 : vector<9x4096xf32>
    %sub3A_32 = arith.subf %add3A_28, %add3A_18 : vector<9x4096xf32>
    %add3A_33 = arith.constant 1.000000e+00 : f32
    %add3A_34 = vector.broadcast %add3A_33 : f32 to vector<9x4096xf32>
    %add3A_35 = arith.addf %sub3A_32, %add3A_34 : vector<9x4096xf32>
    %mul3A = arith.constant 5.000000e-01 : f32
    %mul3A_36 = vector.broadcast %mul3A : f32 to vector<9x4096xf32>
    %mul3A_37 = arith.mulf %mul3A_36, %add3A_31 : vector<9x4096xf32>
    %add3A_38 = arith.addf %add3A_13, %mul3A_37 : vector<9x4096xf32>
    %mul3A_39 = arith.constant 5.000000e-01 : f32
    %mul3A_40 = vector.broadcast %mul3A_39 : f32 to vector<9x4096xf32>
    %mul3A_41 = arith.mulf %mul3A_40, %add3A_35 : vector<9x4096xf32>
    %add3A_42 = arith.addf %add3A_18, %mul3A_41 : vector<9x4096xf32>
    %get3A_43 = arith.constant 0 : index
    %get3A_44 = arith.constant 0 : index
    %get3A_45 = vector.load %arg1[%get3A_43, %get3A_44] : memref<9x4096xf32, #tpu.memory_space<vmem>>, vector<9x4096xf32>
    %mul3A_46 = arith.mulf %get3A_45, %add3A_31 : vector<9x4096xf32>
    %add3A_47 = arith.addf %mul3A_46, %add3A_38 : vector<9x4096xf32>
    %get3A_48 = arith.constant 0 : index
    %get3A_49 = arith.constant 0 : index
    %get3A_50 = vector.load %arg2[%get3A_48, %get3A_49] : memref<9x4096xf32, #tpu.memory_space<vmem>>, vector<9x4096xf32>
    %mul3A_51 = arith.mulf %get3A_50, %add3A_35 : vector<9x4096xf32>
    %add3A_52 = arith.addf %mul3A_51, %add3A_42 : vector<9x4096xf32>
    %get3A_53 = arith.constant 0 : index
    %get3A_54 = arith.constant 0 : index
    %get3A_55 = vector.load %arg3[%get3A_53, %get3A_54] : memref<9x4096xf32, #tpu.memory_space<vmem>>, vector<9x4096xf32>
    %exp3A = math.exp %get3A_55 : vector<9x4096xf32>
    %mul3A_56 = arith.mulf %exp3A, %add3A_31 : vector<9x4096xf32>
    %get3A_57 = arith.constant 0 : index
    %get3A_58 = arith.constant 0 : index
    %get3A_59 = vector.load %arg4[%get3A_57, %get3A_58] : memref<9x4096xf32, #tpu.memory_space<vmem>>, vector<9x4096xf32>
    %exp3A_60 = math.exp %get3A_59 : vector<9x4096xf32>
    %mul3A_61 = arith.mulf %exp3A_60, %add3A_35 : vector<9x4096xf32>
    %get3A_62 = arith.constant 0 : index
    %get3A_63 = memref.load %arg9[%get3A_62] : memref<3xf32, #tpu.memory_space<smem>>
    %get3A_64 = arith.constant 1 : index
    %get3A_65 = memref.load %arg9[%get3A_64] : memref<3xf32, #tpu.memory_space<smem>>
    %get3A_66 = arith.constant 2 : index
    %get3A_67 = memref.load %arg9[%get3A_66] : memref<3xf32, #tpu.memory_space<smem>>
    %mul3A_68 = arith.constant 5.000000e-01 : f32
    %mul3A_69 = vector.broadcast %mul3A_68 : f32 to vector<9x4096xf32>
    %mul3A_70 = arith.mulf %mul3A_69, %mul3A_56 : vector<9x4096xf32>
    %sub3A_71 = arith.subf %add3A_47, %mul3A_70 : vector<9x4096xf32>
    %sub3A_72 = arith.constant 1.000000e+00 : f32
    %sub3A_73 = arith.subf %get3A_65, %sub3A_72 : f32
    %min3A = vector.broadcast %sub3A_73 : f32 to vector<9x4096xf32>
    %min3A_74 = arith.minimumf %sub3A_71, %min3A : vector<9x4096xf32>
    %max3A = arith.constant 0.000000e+00 : f32
    %max3A_75 = vector.broadcast %max3A : f32 to vector<9x4096xf32>
    %max3A_76 = arith.maximumf %min3A_74, %max3A_75 : vector<9x4096xf32>
    %mul3A_77 = arith.constant 5.000000e-01 : f32
    %mul3A_78 = vector.broadcast %mul3A_77 : f32 to vector<9x4096xf32>
    %mul3A_79 = arith.mulf %mul3A_78, %mul3A_61 : vector<9x4096xf32>
    %sub3A_80 = arith.subf %add3A_52, %mul3A_79 : vector<9x4096xf32>
    %sub3A_81 = arith.constant 1.000000e+00 : f32
    %sub3A_82 = arith.subf %get3A_63, %sub3A_81 : f32
    %min3A_83 = vector.broadcast %sub3A_82 : f32 to vector<9x4096xf32>
    %min3A_84 = arith.minimumf %sub3A_80, %min3A_83 : vector<9x4096xf32>
    %max3A_85 = arith.constant 0.000000e+00 : f32
    %max3A_86 = vector.broadcast %max3A_85 : f32 to vector<9x4096xf32>
    %max3A_87 = arith.maximumf %min3A_84, %max3A_86 : vector<9x4096xf32>
    %mul3A_88 = arith.constant 5.000000e-01 : f32
    %mul3A_89 = vector.broadcast %mul3A_88 : f32 to vector<9x4096xf32>
    %mul3A_90 = arith.mulf %mul3A_89, %mul3A_56 : vector<9x4096xf32>
    %add3A_91 = arith.addf %add3A_47, %mul3A_90 : vector<9x4096xf32>
    %sub3A_92 = arith.constant 1.000000e+00 : f32
    %sub3A_93 = arith.subf %get3A_65, %sub3A_92 : f32
    %min3A_94 = vector.broadcast %sub3A_93 : f32 to vector<9x4096xf32>
    %min3A_95 = arith.minimumf %add3A_91, %min3A_94 : vector<9x4096xf32>
    %max3A_96 = arith.constant 0.000000e+00 : f32
    %max3A_97 = vector.broadcast %max3A_96 : f32 to vector<9x4096xf32>
    %max3A_98 = arith.maximumf %min3A_95, %max3A_97 : vector<9x4096xf32>
    %mul3A_99 = arith.constant 5.000000e-01 : f32
    %mul3A_100 = vector.broadcast %mul3A_99 : f32 to vector<9x4096xf32>
    %mul3A_101 = arith.mulf %mul3A_100, %mul3A_61 : vector<9x4096xf32>
    %add3A_102 = arith.addf %add3A_52, %mul3A_101 : vector<9x4096xf32>
    %sub3A_103 = arith.constant 1.000000e+00 : f32
    %sub3A_104 = arith.subf %get3A_63, %sub3A_103 : f32
    %min3A_105 = vector.broadcast %sub3A_104 : f32 to vector<9x4096xf32>
    %min3A_106 = arith.minimumf %add3A_102, %min3A_105 : vector<9x4096xf32>
    %max3A_107 = arith.constant 0.000000e+00 : f32
    %max3A_108 = vector.broadcast %max3A_107 : f32 to vector<9x4096xf32>
    %max3A_109 = arith.maximumf %min3A_106, %max3A_108 : vector<9x4096xf32>
    %sub3A_110 = arith.subf %max3A_98, %max3A_76 : vector<9x4096xf32>
    %add3A_111 = arith.constant 1.000000e+00 : f32
    %add3A_112 = vector.broadcast %add3A_111 : f32 to vector<9x4096xf32>
    %add3A_113 = arith.addf %sub3A_110, %add3A_112 : vector<9x4096xf32>
    %sub3A_114 = arith.subf %max3A_109, %max3A_87 : vector<9x4096xf32>
    %add3A_115 = arith.constant 1.000000e+00 : f32
    %add3A_116 = vector.broadcast %add3A_115 : f32 to vector<9x4096xf32>
    %add3A_117 = arith.addf %sub3A_114, %add3A_116 : vector<9x4096xf32>
    %mul3A_118 = arith.constant 0.000000e+00 : f32
    %mul3A_119 = arith.mulf %mul3A_118, %get3A_67 : f32
    %ge3A = vector.broadcast %mul3A_119 : f32 to vector<9x4096xf32>
    %ge3A_120 = arith.cmpf oge, %add3A_113, %ge3A : vector<9x4096xf32>
    %ge3A_121 = vector.broadcast %mul3A_119 : f32 to vector<9x4096xf32>
    %ge3A_122 = arith.cmpf oge, %add3A_117, %ge3A_121 : vector<9x4096xf32>
    %and3A_123 = arith.andi %ge3A_120, %ge3A_122 : vector<9x4096xi1>
    %get3A_124 = arith.constant 0 : index
    %get3A_125 = arith.constant 0 : index
    %get3A_126 = vector.load %arg0[%get3A_124, %get3A_125] : memref<9x4096xf32, #tpu.memory_space<vmem>>, vector<9x4096xf32>
    %jit3A = arith.constant 0xFF800000 : f32
    %broadcast_in_dim3A = vector.broadcast %jit3A : f32 to vector<9x4096xf32>
    %select_n3A = arith.select %and3A_123, %get3A_126, %broadcast_in_dim3A : vector<9x4096xi1>, vector<9x4096xf32>
    %bitcast_convert_type3A = tpu.bitcast %select_n3A : vector<9x4096xf32> -> vector<9x4096xi32>
    %shift_right_arithmetic3A_127 = arith.constant 31 : i32
    %shift_right_arithmetic3A_128 = vector.broadcast %shift_right_arithmetic3A_127 : i32 to vector<9x4096xi32>
    %shift_right_arithmetic3A_129 = arith.shrsi %bitcast_convert_type3A, %shift_right_arithmetic3A_128 : vector<9x4096xi32>
    %and3A_130 = arith.constant 2147483647 : i32
    %and3A_131 = vector.broadcast %and3A_130 : i32 to vector<9x4096xi32>
    %and3A_132 = arith.andi %shift_right_arithmetic3A_129, %and3A_131 : vector<9x4096xi32>
    %xor3A = arith.xori %bitcast_convert_type3A, %and3A_132 : vector<9x4096xi32>
    %mul3A_133 = arith.constant 9 : i32
    %mul3A_134 = vector.broadcast %mul3A_133 : i32 to vector<9x4096xi32>
    %mul3A_135 = arith.muli %iota3A, %mul3A_134 : vector<9x4096xi32>
    %add3A_136 = arith.addi %mul3A_135, %iota3A_0 : vector<9x4096xi32>
    %scan3A = arith.constant -2147483648 : i32
    %scan3A_137 = arith.constant 2147483647 : i32
    %scan3A_138 = arith.constant 0 : i32
    %scan3A_139 = arith.constant 32 : i32
    %scan3A_140 = arith.addi %scan3A_138, %scan3A_139 : i32
    %scan3A_141 = arith.constant 1 : i32
    %scan3A_142:2 = scf.for %scan3A_185 = %scan3A_138 to %scan3A_140 step %scan3A_141 iter_args(%scan3A_186 = %scan3A, %scan3A_187 = %scan3A_137) -> (i32, i32)  : i32 {
      %and3A_188 = arith.andi %scan3A_186, %scan3A_187 : i32
      %xor3A_189 = arith.xori %scan3A_186, %scan3A_187 : i32
      %shift_right_arithmetic3A_190 = arith.constant 1 : i32
      %shift_right_arithmetic3A_191 = arith.shrsi %xor3A_189, %shift_right_arithmetic3A_190 : i32
      %add3A_192 = arith.addi %and3A_188, %shift_right_arithmetic3A_191 : i32
      %ge3A_193 = vector.broadcast %add3A_192 : i32 to vector<9x4096xi32>
      %ge3A_194 = arith.cmpi sge, %xor3A, %ge3A_193 : vector<9x4096xi32>
      %convert_element_type3A_195 = arith.extui %ge3A_194 : vector<9x4096xi1> to vector<9x4096xi32>
      %reduce_sum3A_196 = vector.shape_cast %convert_element_type3A_195 : vector<9x4096xi32> to vector<1x9x4096xi32>
      %reduce_sum3A_197 = arith.constant dense<0> : vector<1xi32>
      %reduce_sum3A_198 = vector.multi_reduction <add>, %reduce_sum3A_196, %reduce_sum3A_197 [1, 2] : vector<1x9x4096xi32> to vector<1xi32>
      %reduce_sum3A_199 = vector.shape_cast %reduce_sum3A_198 : vector<1xi32> to vector<1x1x1xi32>
      %reduce_sum3A_200 = vector.extract %reduce_sum3A_199[0, 0, 0] : i32 from vector<1x1x1xi32>
      %lt3A = arith.constant 6000 : i32
      %lt3A_201 = arith.cmpi slt, %reduce_sum3A_200, %lt3A : i32
      %select_n3A_202 = arith.select %lt3A_201, %scan3A_186, %add3A_192 : i32
      %select_n3A_203 = arith.select %lt3A_201, %add3A_192, %scan3A_187 : i32
      scf.yield %select_n3A_202, %select_n3A_203 : i32, i32
    }
    %sub3A_143 = arith.constant 1 : i32
    %sub3A_144 = arith.subi %scan3A_142#1, %sub3A_143 : i32
    %gt3A = vector.broadcast %sub3A_144 : i32 to vector<9x4096xi32>
    %gt3A_145 = arith.cmpi sgt, %xor3A, %gt3A : vector<9x4096xi32>
    %convert_element_type3A_146 = arith.extui %gt3A_145 : vector<9x4096xi1> to vector<9x4096xi32>
    %reduce_sum3A = vector.shape_cast %convert_element_type3A_146 : vector<9x4096xi32> to vector<1x9x4096xi32>
    %reduce_sum3A_147 = arith.constant dense<0> : vector<1xi32>
    %reduce_sum3A_148 = vector.multi_reduction <add>, %reduce_sum3A, %reduce_sum3A_147 [1, 2] : vector<1x9x4096xi32> to vector<1xi32>
    %reduce_sum3A_149 = vector.shape_cast %reduce_sum3A_148 : vector<1xi32> to vector<1x1x1xi32>
    %reduce_sum3A_150 = vector.extract %reduce_sum3A_149[0, 0, 0] : i32 from vector<1x1x1xi32>
    %sub3A_151 = arith.constant 6000 : i32
    %sub3A_152 = arith.subi %sub3A_151, %reduce_sum3A_150 : i32
    %eq3A = vector.broadcast %sub3A_144 : i32 to vector<9x4096xi32>
    %eq3A_153 = arith.cmpi eq, %xor3A, %eq3A : vector<9x4096xi32>
    %scan3A_154 = arith.constant -1 : i32
    %scan3A_155 = arith.constant 36863 : i32
    %scan3A_156 = arith.constant 0 : i32
    %scan3A_157 = arith.constant 17 : i32
    %scan3A_158 = arith.addi %scan3A_156, %scan3A_157 : i32
    %scan3A_159 = arith.constant 1 : i32
    %scan3A_160:2 = scf.for %scan3A_185 = %scan3A_156 to %scan3A_158 step %scan3A_159 iter_args(%scan3A_186 = %scan3A_154, %scan3A_187 = %scan3A_155) -> (i32, i32)  : i32 {
      %and3A_188 = arith.andi %scan3A_186, %scan3A_187 : i32
      %xor3A_189 = arith.xori %scan3A_186, %scan3A_187 : i32
      %shift_right_arithmetic3A_190 = arith.constant 1 : i32
      %shift_right_arithmetic3A_191 = arith.shrsi %xor3A_189, %shift_right_arithmetic3A_190 : i32
      %add3A_192 = arith.addi %and3A_188, %shift_right_arithmetic3A_191 : i32
      %le3A_193 = vector.broadcast %add3A_192 : i32 to vector<9x4096xi32>
      %le3A_194 = arith.cmpi sle, %add3A_136, %le3A_193 : vector<9x4096xi32>
      %and3A_195 = arith.andi %eq3A_153, %le3A_194 : vector<9x4096xi1>
      %convert_element_type3A_196 = arith.extui %and3A_195 : vector<9x4096xi1> to vector<9x4096xi32>
      %reduce_sum3A_197 = vector.shape_cast %convert_element_type3A_196 : vector<9x4096xi32> to vector<1x9x4096xi32>
      %reduce_sum3A_198 = arith.constant dense<0> : vector<1xi32>
      %reduce_sum3A_199 = vector.multi_reduction <add>, %reduce_sum3A_197, %reduce_sum3A_198 [1, 2] : vector<1x9x4096xi32> to vector<1xi32>
      %reduce_sum3A_200 = vector.shape_cast %reduce_sum3A_199 : vector<1xi32> to vector<1x1x1xi32>
      %reduce_sum3A_201 = vector.extract %reduce_sum3A_200[0, 0, 0] : i32 from vector<1x1x1xi32>
      %ge3A_202 = arith.cmpi sge, %reduce_sum3A_201, %sub3A_152 : i32
      %select_n3A_203 = arith.select %ge3A_202, %scan3A_186, %add3A_192 : i32
      %select_n3A_204 = arith.select %ge3A_202, %add3A_192, %scan3A_187 : i32
      scf.yield %select_n3A_203, %select_n3A_204 : i32, i32
    }
    %gt3A_161 = vector.broadcast %sub3A_144 : i32 to vector<9x4096xi32>
    %gt3A_162 = arith.cmpi sgt, %xor3A, %gt3A_161 : vector<9x4096xi32>
    %le3A = vector.broadcast %scan3A_160#1 : i32 to vector<9x4096xi32>
    %le3A_163 = arith.cmpi sle, %add3A_136, %le3A : vector<9x4096xi32>
    %and3A_164 = arith.andi %eq3A_153, %le3A_163 : vector<9x4096xi1>
    %or3A = arith.ori %gt3A_162, %and3A_164 : vector<9x4096xi1>
    %swap3A = arith.constant 0 : index
    %swap3A_165 = arith.constant 0 : index
    %swap3A_166 = vector.load %arg10[%swap3A, %swap3A_165] : memref<9x4096xf32, #tpu.memory_space<vmem>>, vector<9x4096xf32>
    tpu.vector_store %arg10[%swap3A, %swap3A_165], %max3A_76 {strides = array<i32>} : memref<9x4096xf32, #tpu.memory_space<vmem>>, vector<9x4096xf32>,
    %swap3A_167 = arith.constant 0 : index
    %swap3A_168 = arith.constant 0 : index
    %swap3A_169 = vector.load %arg11[%swap3A_167, %swap3A_168] : memref<9x4096xf32, #tpu.memory_space<vmem>>, vector<9x4096xf32>
    tpu.vector_store %arg11[%swap3A_167, %swap3A_168], %max3A_87 {strides = array<i32>} : memref<9x4096xf32, #tpu.memory_space<vmem>>, vector<9x4096xf32>,
    %swap3A_170 = arith.constant 0 : index
    %swap3A_171 = arith.constant 0 : index
    %swap3A_172 = vector.load %arg12[%swap3A_170, %swap3A_171] : memref<9x4096xf32, #tpu.memory_space<vmem>>, vector<9x4096xf32>
    tpu.vector_store %arg12[%swap3A_170, %swap3A_171], %max3A_98 {strides = array<i32>} : memref<9x4096xf32, #tpu.memory_space<vmem>>, vector<9x4096xf32>,
    %swap3A_173 = arith.constant 0 : index
    %swap3A_174 = arith.constant 0 : index
    %swap3A_175 = vector.load %arg13[%swap3A_173, %swap3A_174] : memref<9x4096xf32, #tpu.memory_space<vmem>>, vector<9x4096xf32>
    tpu.vector_store %arg13[%swap3A_173, %swap3A_174], %max3A_109 {strides = array<i32>} : memref<9x4096xf32, #tpu.memory_space<vmem>>, vector<9x4096xf32>,
    %jit3A_176 = arith.constant -2147483648 : i32
    %broadcast_in_dim3A_177 = vector.broadcast %jit3A_176 : i32 to vector<9x4096xi32>
    %select_n3A_178 = arith.select %or3A, %xor3A, %broadcast_in_dim3A_177 : vector<9x4096xi1>, vector<9x4096xi32>
    %swap3A_179 = arith.constant 0 : index
    %swap3A_180 = arith.constant 0 : index
    %swap3A_181 = vector.load %arg14[%swap3A_179, %swap3A_180] : memref<9x4096xi32, #tpu.memory_space<vmem>>, vector<9x4096xi32>
    tpu.vector_store %arg14[%swap3A_179, %swap3A_180], %select_n3A_178 {strides = array<i32>} : memref<9x4096xi32, #tpu.memory_space<vmem>>, vector<9x4096xi32>,
    %swap3A_182 = arith.constant 0 : index
    %swap3A_183 = arith.constant 0 : index
    %swap3A_184 = vector.load %arg15[%swap3A_182, %swap3A_183] : memref<9x4096xi32, #tpu.memory_space<vmem>>, vector<9x4096xi32>
    tpu.vector_store %arg15[%swap3A_182, %swap3A_183], %add3A_136 {strides = array<i32>} : memref<9x4096xi32, #tpu.memory_space<vmem>>, vector<9x4096xi32>,
    return
  }
}

module attributes {stable_mosaic.version = 14 : i64} {
  func.func @_nms_kernel(%arg0: memref<48x128xf32, #tpu.memory_space<vmem>>, %arg1: memref<48x128xf32, #tpu.memory_space<vmem>>, %arg2: memref<48x128xf32, #tpu.memory_space<vmem>>, %arg3: memref<48x128xf32, #tpu.memory_space<vmem>>, %arg4: memref<48x128xi32, #tpu.memory_space<vmem>>, %arg5: memref<48x128xi32, #tpu.memory_space<vmem>>, %arg6: memref<304x128xf32, #tpu.memory_space<vmem>>, %arg7: memref<48x128xi32, #tpu.memory_space<vmem>>) attributes {dimension_semantics = [], scalar_prefetch = 0 : i64, scratch_operands = 1 : i64, tpu.core_type = #tpu.core_type<tc>} {
    %get3A = arith.constant 0 : index
    %get3A_0 = arith.constant 0 : index
    %get3A_1 = vector.load %arg0[%get3A, %get3A_0] : memref<48x128xf32, #tpu.memory_space<vmem>>, vector<48x128xf32>
    %get3A_2 = arith.constant 0 : index
    %get3A_3 = arith.constant 0 : index
    %get3A_4 = vector.load %arg1[%get3A_2, %get3A_3] : memref<48x128xf32, #tpu.memory_space<vmem>>, vector<48x128xf32>
    %get3A_5 = arith.constant 0 : index
    %get3A_6 = arith.constant 0 : index
    %get3A_7 = vector.load %arg2[%get3A_5, %get3A_6] : memref<48x128xf32, #tpu.memory_space<vmem>>, vector<48x128xf32>
    %get3A_8 = arith.constant 0 : index
    %get3A_9 = arith.constant 0 : index
    %get3A_10 = vector.load %arg3[%get3A_8, %get3A_9] : memref<48x128xf32, #tpu.memory_space<vmem>>, vector<48x128xf32>
    %get3A_11 = arith.constant 0 : index
    %get3A_12 = arith.constant 0 : index
    %get3A_13 = vector.load %arg5[%get3A_11, %get3A_12] : memref<48x128xi32, #tpu.memory_space<vmem>>, vector<48x128xi32>
    %sub3A = arith.subf %get3A_7, %get3A_1 : vector<48x128xf32>
    %sub3A_14 = arith.subf %get3A_10, %get3A_4 : vector<48x128xf32>
    %mul3A = arith.mulf %sub3A, %sub3A_14 : vector<48x128xf32>
    %iota3A = tpu.iota {dimensions = array<i32: 0>} : vector<48x128xi32>
    %iota3A_15 = tpu.iota {dimensions = array<i32: 1>} : vector<48x128xi32>
    %mul3A_16 = arith.constant 128 : i32
    %mul3A_17 = vector.broadcast %mul3A_16 : i32 to vector<48x128xi32>
    %mul3A_18 = arith.muli %iota3A, %mul3A_17 : vector<48x128xi32>
    %add3A = arith.addi %mul3A_18, %iota3A_15 : vector<48x128xi32>
    %lt3A = arith.constant 6000 : i32
    %lt3A_19 = vector.broadcast %lt3A : i32 to vector<48x128xi32>
    %lt3A_20 = arith.cmpi slt, %add3A, %lt3A_19 : vector<48x128xi32>
    %get3A_21 = arith.constant 0 : index
    %get3A_22 = arith.constant 0 : index
    %get3A_23 = vector.load %arg4[%get3A_21, %get3A_22] : memref<48x128xi32, #tpu.memory_space<vmem>>, vector<48x128xi32>
    %jit3A = arith.constant -2147483648 : i32
    %broadcast_in_dim3A = vector.broadcast %jit3A : i32 to vector<48x128xi32>
    %select_n3A = arith.select %lt3A_20, %get3A_23, %broadcast_in_dim3A : vector<48x128xi1>, vector<48x128xi32>
    %swap3A = arith.constant 0 : index
    %swap3A_24 = arith.constant 0 : index
    %swap3A_25 = vector.load %arg7[%swap3A, %swap3A_24] : memref<48x128xi32, #tpu.memory_space<vmem>>, vector<48x128xi32>
    tpu.vector_store %arg7[%swap3A, %swap3A_24], %select_n3A {strides = array<i32>} : memref<48x128xi32, #tpu.memory_space<vmem>>, vector<48x128xi32>,
    %iota3A_26 = tpu.iota {dimensions = array<i32: 1>} : vector<1x128xi32>
    %reduce_max3A = vector.shape_cast %select_n3A : vector<48x128xi32> to vector<1x48x128xi32>
    %reduce_max3A_27 = arith.constant dense<-2147483648> : vector<1xi32>
    %reduce_max3A_28 = vector.multi_reduction <maxsi>, %reduce_max3A, %reduce_max3A_27 [1, 2] : vector<1x48x128xi32> to vector<1xi32>
    %reduce_max3A_29 = vector.shape_cast %reduce_max3A_28 : vector<1xi32> to vector<1x1x1xi32>
    %reduce_max3A_30 = vector.extract %reduce_max3A_29[0, 0, 0] : i32 from vector<1x1x1xi32>
    %while3A = arith.constant -2147483648 : i32
    %while3A_31 = arith.constant 2147483647 : i32
    %while3A_32 = arith.constant 9.99999996E-13 : f32
    %while3A_33 = arith.constant 0.699999988 : f32
    %while3A_34 = arith.constant -2147483648 : i32
    %while3A_35 = arith.constant 0.000000e+00 : f32
    %while3A_36 = arith.constant 0 : i32
    %while3A_37 = arith.constant 0.000000e+00 : f32
    %while3A_38 = arith.constant 0.000000e+00 : f32
    %while3A_39 = arith.constant 0.000000e+00 : f32
    %while3A_40 = arith.constant 0.000000e+00 : f32
    %while3A_41:6 = scf.while (%while3A_73 = %while3A_36, %while3A_74 = %reduce_max3A_30, %while3A_75 = %while3A_37, %while3A_76 = %while3A_38, %while3A_77 = %while3A_39, %while3A_78 = %while3A_40) : (i32, i32, f32, f32, f32, f32) -> (i32, i32, f32, f32, f32, f32) {
      %lt3A_79 = arith.constant 300 : i32
      %lt3A_80 = arith.cmpi slt, %while3A_73, %lt3A_79 : i32
      %gt3A = arith.cmpi sgt, %while3A_74, %while3A : i32
      %and3A = arith.andi %lt3A_80, %gt3A : i1
      scf.condition(%and3A) %while3A_73, %while3A_74, %while3A_75, %while3A_76, %while3A_77, %while3A_78 : i32, i32, f32, f32, f32, f32
    } do {
    ^bb0(%while3A_73: i32, %while3A_74: i32, %while3A_75: f32, %while3A_76: f32, %while3A_77: f32, %while3A_78: f32):
      %get3A_79 = arith.constant 0 : index
      %get3A_80 = arith.constant 0 : index
      %get3A_81 = vector.load %arg7[%get3A_79, %get3A_80] : memref<48x128xi32, #tpu.memory_space<vmem>>, vector<48x128xi32>
      %eq3A_82 = vector.broadcast %while3A_74 : i32 to vector<48x128xi32>
      %eq3A_83 = arith.cmpi eq, %get3A_81, %eq3A_82 : vector<48x128xi32>
      %broadcast_in_dim3A_84 = vector.broadcast %while3A_31 : i32 to vector<48x128xi32>
      %select_n3A_85 = arith.select %eq3A_83, %get3A_13, %broadcast_in_dim3A_84 : vector<48x128xi1>, vector<48x128xi32>
      %reduce_min3A = vector.shape_cast %select_n3A_85 : vector<48x128xi32> to vector<1x48x128xi32>
      %reduce_min3A_86 = arith.constant dense<2147483647> : vector<1xi32>
      %reduce_min3A_87 = vector.multi_reduction <minsi>, %reduce_min3A, %reduce_min3A_86 [1, 2] : vector<1x48x128xi32> to vector<1xi32>
      %reduce_min3A_88 = vector.shape_cast %reduce_min3A_87 : vector<1xi32> to vector<1x1x1xi32>
      %reduce_min3A_89 = vector.extract %reduce_min3A_88[0, 0, 0] : i32 from vector<1x1x1xi32>
      %eq3A_90 = vector.broadcast %reduce_min3A_89 : i32 to vector<48x128xi32>
      %eq3A_91 = arith.cmpi eq, %get3A_13, %eq3A_90 : vector<48x128xi32>
      %and3A = arith.andi %eq3A_83, %eq3A_91 : vector<48x128xi1>
      %convert_element_type3A = arith.extui %and3A : vector<48x128xi1> to vector<48x128xi32>
      %convert_element_type3A_92 = arith.sitofp %convert_element_type3A : vector<48x128xi32> to vector<48x128xf32>
      %mul3A_93 = arith.mulf %get3A_1, %convert_element_type3A_92 : vector<48x128xf32>
      %reduce_sum3A = vector.shape_cast %mul3A_93 : vector<48x128xf32> to vector<1x48x128xf32>
      %reduce_sum3A_94 = arith.constant dense<0.000000e+00> : vector<1xf32>
      %reduce_sum3A_95 = vector.multi_reduction <add>, %reduce_sum3A, %reduce_sum3A_94 [1, 2] : vector<1x48x128xf32> to vector<1xf32>
      %reduce_sum3A_96 = vector.shape_cast %reduce_sum3A_95 : vector<1xf32> to vector<1x1x1xf32>
      %reduce_sum3A_97 = vector.extract %reduce_sum3A_96[0, 0, 0] : f32 from vector<1x1x1xf32>
      %mul3A_98 = arith.mulf %get3A_4, %convert_element_type3A_92 : vector<48x128xf32>
      %reduce_sum3A_99 = vector.shape_cast %mul3A_98 : vector<48x128xf32> to vector<1x48x128xf32>
      %reduce_sum3A_100 = arith.constant dense<0.000000e+00> : vector<1xf32>
      %reduce_sum3A_101 = vector.multi_reduction <add>, %reduce_sum3A_99, %reduce_sum3A_100 [1, 2] : vector<1x48x128xf32> to vector<1xf32>
      %reduce_sum3A_102 = vector.shape_cast %reduce_sum3A_101 : vector<1xf32> to vector<1x1x1xf32>
      %reduce_sum3A_103 = vector.extract %reduce_sum3A_102[0, 0, 0] : f32 from vector<1x1x1xf32>
      %mul3A_104 = arith.mulf %get3A_7, %convert_element_type3A_92 : vector<48x128xf32>
      %reduce_sum3A_105 = vector.shape_cast %mul3A_104 : vector<48x128xf32> to vector<1x48x128xf32>
      %reduce_sum3A_106 = arith.constant dense<0.000000e+00> : vector<1xf32>
      %reduce_sum3A_107 = vector.multi_reduction <add>, %reduce_sum3A_105, %reduce_sum3A_106 [1, 2] : vector<1x48x128xf32> to vector<1xf32>
      %reduce_sum3A_108 = vector.shape_cast %reduce_sum3A_107 : vector<1xf32> to vector<1x1x1xf32>
      %reduce_sum3A_109 = vector.extract %reduce_sum3A_108[0, 0, 0] : f32 from vector<1x1x1xf32>
      %mul3A_110 = arith.mulf %get3A_10, %convert_element_type3A_92 : vector<48x128xf32>
      %reduce_sum3A_111 = vector.shape_cast %mul3A_110 : vector<48x128xf32> to vector<1x48x128xf32>
      %reduce_sum3A_112 = arith.constant dense<0.000000e+00> : vector<1xf32>
      %reduce_sum3A_113 = vector.multi_reduction <add>, %reduce_sum3A_111, %reduce_sum3A_112 [1, 2] : vector<1x48x128xf32> to vector<1xf32>
      %reduce_sum3A_114 = vector.shape_cast %reduce_sum3A_113 : vector<1xf32> to vector<1x1x1xf32>
      %reduce_sum3A_115 = vector.extract %reduce_sum3A_114[0, 0, 0] : f32 from vector<1x1x1xf32>
      %eq3A_116 = arith.constant 0 : i32
      %eq3A_117 = arith.cmpi eq, %while3A_73, %eq3A_116 : i32
      %select_n3A_118 = arith.select %eq3A_117, %reduce_sum3A_97, %while3A_75 : f32
      %select_n3A_119 = arith.select %eq3A_117, %reduce_sum3A_103, %while3A_76 : f32
      %select_n3A_120 = arith.select %eq3A_117, %reduce_sum3A_109, %while3A_77 : f32
      %select_n3A_121 = arith.select %eq3A_117, %reduce_sum3A_115, %while3A_78 : f32
      %max3A = vector.broadcast %reduce_sum3A_97 : f32 to vector<48x128xf32>
      %max3A_122 = arith.maximumf %get3A_1, %max3A : vector<48x128xf32>
      %max3A_123 = vector.broadcast %reduce_sum3A_103 : f32 to vector<48x128xf32>
      %max3A_124 = arith.maximumf %get3A_4, %max3A_123 : vector<48x128xf32>
      %min3A = vector.broadcast %reduce_sum3A_109 : f32 to vector<48x128xf32>
      %min3A_125 = arith.minimumf %get3A_7, %min3A : vector<48x128xf32>
      %min3A_126 = vector.broadcast %reduce_sum3A_115 : f32 to vector<48x128xf32>
      %min3A_127 = arith.minimumf %get3A_10, %min3A_126 : vector<48x128xf32>
      %sub3A_128 = arith.subf %min3A_125, %max3A_122 : vector<48x128xf32>
      %jit3A_129 = arith.constant 0.000000e+00 : f32
      %max3A_130 = vector.broadcast %jit3A_129 : f32 to vector<48x128xf32>
      %max3A_131 = arith.maximumf %max3A_130, %sub3A_128 : vector<48x128xf32>
      %sub3A_132 = arith.subf %min3A_127, %max3A_124 : vector<48x128xf32>
      %jit3A_133 = arith.constant 0.000000e+00 : f32
      %max3A_134 = vector.broadcast %jit3A_133 : f32 to vector<48x128xf32>
      %max3A_135 = arith.maximumf %max3A_134, %sub3A_132 : vector<48x128xf32>
      %mul3A_136 = arith.mulf %max3A_131, %max3A_135 : vector<48x128xf32>
      %sub3A_137 = arith.subf %reduce_sum3A_109, %reduce_sum3A_97 : f32
      %sub3A_138 = arith.subf %reduce_sum3A_115, %reduce_sum3A_103 : f32
      %mul3A_139 = arith.mulf %sub3A_137, %sub3A_138 : f32
      %add3A_140 = vector.broadcast %mul3A_139 : f32 to vector<48x128xf32>
      %add3A_141 = arith.addf %add3A_140, %mul3A : vector<48x128xf32>
      %sub3A_142 = arith.subf %add3A_141, %mul3A_136 : vector<48x128xf32>
      %add3A_143 = vector.broadcast %while3A_32 : f32 to vector<48x128xf32>
      %add3A_144 = arith.addf %sub3A_142, %add3A_143 : vector<48x128xf32>
      %div3A = arith.divf %mul3A_136, %add3A_144 : vector<48x128xf32>
      %gt3A = vector.broadcast %while3A_33 : f32 to vector<48x128xf32>
      %gt3A_145 = arith.cmpf ogt, %div3A, %gt3A : vector<48x128xf32>
      %or3A = arith.ori %gt3A_145, %and3A : vector<48x128xi1>
      %broadcast_in_dim3A_146 = vector.broadcast %while3A_34 : i32 to vector<48x128xi32>
      %select_n3A_147 = arith.select %or3A, %broadcast_in_dim3A_146, %get3A_81 : vector<48x128xi1>, vector<48x128xi32>
      %swap3A_148 = arith.constant 0 : index
      %swap3A_149 = arith.constant 0 : index
      %swap3A_150 = vector.load %arg7[%swap3A_148, %swap3A_149] : memref<48x128xi32, #tpu.memory_space<vmem>>, vector<48x128xi32>
      tpu.vector_store %arg7[%swap3A_148, %swap3A_149], %select_n3A_147 {strides = array<i32>} : memref<48x128xi32, #tpu.memory_space<vmem>>, vector<48x128xi32>,
      %reduce_max3A_151 = vector.shape_cast %select_n3A_147 : vector<48x128xi32> to vector<1x48x128xi32>
      %reduce_max3A_152 = arith.constant dense<-2147483648> : vector<1xi32>
      %reduce_max3A_153 = vector.multi_reduction <maxsi>, %reduce_max3A_151, %reduce_max3A_152 [1, 2] : vector<1x48x128xi32> to vector<1xi32>
      %reduce_max3A_154 = vector.shape_cast %reduce_max3A_153 : vector<1xi32> to vector<1x1x1xi32>
      %reduce_max3A_155 = vector.extract %reduce_max3A_154[0, 0, 0] : i32 from vector<1x1x1xi32>
      %eq3A_156 = arith.constant 0 : i32
      %eq3A_157 = vector.broadcast %eq3A_156 : i32 to vector<1x128xi32>
      %eq3A_158 = arith.cmpi eq, %iota3A_26, %eq3A_157 : vector<1x128xi32>
      %eq3A_159 = arith.constant 1 : i32
      %eq3A_160 = vector.broadcast %eq3A_159 : i32 to vector<1x128xi32>
      %eq3A_161 = arith.cmpi eq, %iota3A_26, %eq3A_160 : vector<1x128xi32>
      %eq3A_162 = arith.constant 2 : i32
      %eq3A_163 = vector.broadcast %eq3A_162 : i32 to vector<1x128xi32>
      %eq3A_164 = arith.cmpi eq, %iota3A_26, %eq3A_163 : vector<1x128xi32>
      %eq3A_165 = arith.constant 3 : i32
      %eq3A_166 = vector.broadcast %eq3A_165 : i32 to vector<1x128xi32>
      %eq3A_167 = arith.cmpi eq, %iota3A_26, %eq3A_166 : vector<1x128xi32>
      %broadcast_in_dim3A_168 = vector.broadcast %reduce_sum3A_115 : f32 to vector<1x128xf32>
      %broadcast_in_dim3A_169 = vector.broadcast %while3A_35 : f32 to vector<1x128xf32>
      %select_n3A_170 = arith.select %eq3A_167, %broadcast_in_dim3A_168, %broadcast_in_dim3A_169 : vector<1x128xi1>, vector<1x128xf32>
      %broadcast_in_dim3A_171 = vector.broadcast %reduce_sum3A_109 : f32 to vector<1x128xf32>
      %select_n3A_172 = arith.select %eq3A_164, %broadcast_in_dim3A_171, %select_n3A_170 : vector<1x128xi1>, vector<1x128xf32>
      %broadcast_in_dim3A_173 = vector.broadcast %reduce_sum3A_103 : f32 to vector<1x128xf32>
      %select_n3A_174 = arith.select %eq3A_161, %broadcast_in_dim3A_173, %select_n3A_172 : vector<1x128xi1>, vector<1x128xf32>
      %broadcast_in_dim3A_175 = vector.broadcast %reduce_sum3A_97 : f32 to vector<1x128xf32>
      %select_n3A_176 = arith.select %eq3A_158, %broadcast_in_dim3A_175, %select_n3A_174 : vector<1x128xi1>, vector<1x128xf32>
      %swap3A_177 = arith.index_cast %while3A_73 : i32 to index
      %swap3A_178 = arith.constant 0 : index
      %swap3A_179 = vector.load %arg6[%swap3A_177, %swap3A_178] : memref<304x128xf32, #tpu.memory_space<vmem>>, vector<1x128xf32>
      tpu.vector_store %arg6[%swap3A_177, %swap3A_178], %select_n3A_176 {strides = array<i32>} : memref<304x128xf32, #tpu.memory_space<vmem>>, vector<1x128xf32>,
      %add3A_180 = arith.constant 1 : i32
      %add3A_181 = arith.addi %while3A_73, %add3A_180 : i32
      scf.yield %add3A_181, %reduce_max3A_155, %select_n3A_118, %select_n3A_119, %select_n3A_120, %select_n3A_121 : i32, i32, f32, f32, f32, f32
    }
    %eq3A = arith.constant 0 : i32
    %eq3A_42 = vector.broadcast %eq3A : i32 to vector<1x128xi32>
    %eq3A_43 = arith.cmpi eq, %iota3A_26, %eq3A_42 : vector<1x128xi32>
    %eq3A_44 = arith.constant 1 : i32
    %eq3A_45 = vector.broadcast %eq3A_44 : i32 to vector<1x128xi32>
    %eq3A_46 = arith.cmpi eq, %iota3A_26, %eq3A_45 : vector<1x128xi32>
    %eq3A_47 = arith.constant 2 : i32
    %eq3A_48 = vector.broadcast %eq3A_47 : i32 to vector<1x128xi32>
    %eq3A_49 = arith.cmpi eq, %iota3A_26, %eq3A_48 : vector<1x128xi32>
    %eq3A_50 = arith.constant 3 : i32
    %eq3A_51 = vector.broadcast %eq3A_50 : i32 to vector<1x128xi32>
    %eq3A_52 = arith.cmpi eq, %iota3A_26, %eq3A_51 : vector<1x128xi32>
    %jit3A_53 = arith.constant 0.000000e+00 : f32
    %broadcast_in_dim3A_54 = vector.broadcast %while3A_41#5 : f32 to vector<1x128xf32>
    %broadcast_in_dim3A_55 = vector.broadcast %jit3A_53 : f32 to vector<1x128xf32>
    %select_n3A_56 = arith.select %eq3A_52, %broadcast_in_dim3A_54, %broadcast_in_dim3A_55 : vector<1x128xi1>, vector<1x128xf32>
    %broadcast_in_dim3A_57 = vector.broadcast %while3A_41#4 : f32 to vector<1x128xf32>
    %select_n3A_58 = arith.select %eq3A_49, %broadcast_in_dim3A_57, %select_n3A_56 : vector<1x128xi1>, vector<1x128xf32>
    %broadcast_in_dim3A_59 = vector.broadcast %while3A_41#3 : f32 to vector<1x128xf32>
    %select_n3A_60 = arith.select %eq3A_46, %broadcast_in_dim3A_59, %select_n3A_58 : vector<1x128xi1>, vector<1x128xf32>
    %broadcast_in_dim3A_61 = vector.broadcast %while3A_41#2 : f32 to vector<1x128xf32>
    %select_n3A_62 = arith.select %eq3A_43, %broadcast_in_dim3A_61, %select_n3A_60 : vector<1x128xi1>, vector<1x128xf32>
    %while3A_63 = arith.constant 0 : i32
    %while3A_64 = arith.constant 300 : i32
    %while3A_65 = arith.subi %while3A_64, %while3A_41#0 : i32
    %while3A_66 = arith.addi %while3A_41#0, %while3A_65 : i32
    %while3A_67 = arith.constant 1 : i32
    %while3A_68 = arith.divsi %while3A_65, %while3A_67 : i32
    %while3A_69 = arith.muli %while3A_68, %while3A_67 : i32
    %while3A_70 = arith.addi %while3A_41#0, %while3A_69 : i32
    %while3A_71 = arith.constant 1 : i32
    scf.for %while3A_73 = %while3A_41#0 to %while3A_70 step %while3A_71  : i32 {
      %swap3A_74 = arith.index_cast %while3A_73 : i32 to index
      %swap3A_75 = arith.constant 0 : index
      %swap3A_76 = vector.load %arg6[%swap3A_74, %swap3A_75] : memref<304x128xf32, #tpu.memory_space<vmem>>, vector<1x128xf32>
      tpu.vector_store %arg6[%swap3A_74, %swap3A_75], %select_n3A_62 {strides = array<i32>} : memref<304x128xf32, #tpu.memory_space<vmem>>, vector<1x128xf32>,
    }
    %while3A_72 = arith.constant 1 : i32
    scf.for %while3A_73 = %while3A_70 to %while3A_66 step %while3A_72  : i32 {
      %swap3A_74 = arith.index_cast %while3A_73 : i32 to index
      %swap3A_75 = arith.constant 0 : index
      %swap3A_76 = vector.load %arg6[%swap3A_74, %swap3A_75] : memref<304x128xf32, #tpu.memory_space<vmem>>, vector<1x128xf32>
      tpu.vector_store %arg6[%swap3A_74, %swap3A_75], %select_n3A_62 {strides = array<i32>} : memref<304x128xf32, #tpu.memory_space<vmem>>, vector<1x128xf32>,
    }
    return
  }
}

</mosaic_0001>

<sc_bundles>
// kernel: kernel.5.cloned.1.call-start
scs
__scs_entry_jumppad:
0x0: {  	(pc) =	sbr.rel $0x88, $3  }
0x1: {  	(tag) =	ssettag $0x0;
	lr =	simm.s32 $0x1  }
0x2: {  	[smem:$0x3F9E] =	sst lr;
	_ =	strace $0xD0000000  }
0x3: {  	_ = 	snop  }
0x4: {  	_ = 	snop  }
0x5: {  	_ = 	snop  }
0x6: {  	_ = 	snop  }
0x7: {  	_ = 	snop  }
__scs_overlays_trampoline_lowered:
0x8: {  	[smem:$0x3FAD] =	sst s0  }
0x9: {  	[smem:$0x3FAE] =	sst s1  }
0xa: {  	[smem:$0x3FAF] =	sst s2  }
0xb: {  	[smem:$0x3FB0] =	sst s3  }
0xc: {  	[smem:$0x3FB1] =	sst s4  }
0xd: {  	[smem:$0x3FB2] =	sst s5  }
0xe: {  	[smem:$0x3FB3] =	sst s6  }
0xf: {  	[smem:$0x3FB4] =	sst s7  }
0x10: {  	[smem:$0x3FB5] =	sst s8  }
0x11: {  	[smem:$0x3FB6] =	sst s9;
	s0 =	simm.s32 @!p0 $0x0  }
0x12: {  	s1 =	sld [smem:$0x3F9C];
	s0 =	simm.s32 @p0 $0x1  }
0x13: {  	[smem:$0x3FB7] =	sst s0;
	s0 =	simm.s32 @!p1 $0x0  }
0x14: {  	s2 =	sld [smem:$0x3F9B];
	s0 =	simm.s32 @p1 $0x1  }
0x15: {  	[smem:$0x3FB8] =	sst s0;
	s0 =	simm.s32 @!p2 $0x0  }
0x16: {  	s3 =	sld [smem:$0x3FDB];
	s0 =	simm.s32 @p2 $0x1  }
0x17: {  	s4 =	simm.s32 $0x1BF5;
	[smem:$0x3FBA] =	sst s0  }
0x18: {  	s0 =	sld [smem:$0x3F9D];
	_ =	swait.ge [sflag:s4], $0x0  }
0x19: {  	s7 =	sld [smem:$0x3F9E]  }
0x1a: {  	s8 =	sadd.s32 $0xFFFFE003, lr  }
0x1b: {  	s9 =	sadd.s32 $0xFFFFFEF7, lr;
	s5 =	simm.s32 $0xFFFFFFFF;
	p2 =	slt.u32 s8, $0xFFFFF086  }
0x1c: {  	p1 =	slt.u32 s9, $0xF7A;
	s5 =	simm.s32 @!p2 $0x0  }
0x1d: {  	s5 =	simm.s32 @p1 $0x1;
	p0 =	seq.s32 s7, s2  }
0x1e: {  	s7 =	smul.u32 @!p0 $0xF7A, s2;
	p2 =	seq.s32 @!p0 s5, $0x0  }
0x1f: {  	s9 =	smul.u32 $0xF7A, s1;
	s8 =	simm.s32 @!p0 $0x1BF5;
	p2 =	por !p2, p0  }
0x20: {  	[sflag:s8] =	ssyncset.s32 @!p0 $0xFFFFF086;
	s6 =	sadd.s32 @!p0 s3, s7;
	s7 =	simm.s32 @!p0 $0x108  }
0x21: {  	s3 =	sadd.s32 s3, s9;
	s6 =	sadd.s32 @!p0 $0x88, s6;
	s7 =	simm.s32 @p2 $0x1082  }
0x22: {  	[simem:s7], [sflag:s8] =	dma.local @!p0 [hbm:s6], $0xF7A  }
0x23: {  	s9 =	sor.u32 $0xD0000000, s2;
	s6 =	simm.s32 $0x108;
	_ =	swait.ge @!p0 [sflag:s8], $0x0  }
0x24: {  	s3 =	sadd.s32 $0x88, s3;
	s6 =	simm.s32 @!p1 $0x1082;
	[sflag:s4] =	ssyncset.s32 $0xFFFFF086  }
0x25: {  	[simem:s6], [sflag:s4] =	dma.local [hbm:s3], $0xF7A  }
0x26: {  	[smem:$0x3F9E] =	sst s1;
	(tag) =	ssettag s2;
	_ =	strace s9  }
0x27: {  	s1 =	sld [smem:$0x3FAE]  }
0x28: {  	s2 =	sld [smem:$0x3FAF]  }
0x29: {  	s4 =	sld [smem:$0x3FB1]  }
0x2a: {  	p0 =	seq.s32 s5, $0x0;
	s5 =	sld [smem:$0x3FB2]  }
0x2b: {  	s6 =	sld [smem:$0x3FB3]  }
0x2c: {  	s7 =	sld [smem:$0x3FB4]  }
0x2d: {  	s3 =	simm.s32 $0x108;
	s8 =	sld [smem:$0x3FB5]  }
0x2e: {  	s3 =	simm.s32 @!p0 $0x1082;
	s9 =	sld [smem:$0x3FB6]  }
0x2f: {  	lr =	sadd.s32 s0, s3;
	s0 =	sld [smem:$0x3FAD]  }
0x30: {  	s3 =	sld [smem:$0x3FB0]  }
0x31: {  	[smem:$0x3FB9] =	sst s10  }
0x32: {  	s10 =	sld [smem:$0x3FB7];
	_ =	sdelay $0x3  }
0x33: {  	p0 =	seq.s32 s10, $0x1;
	s10 =	sld [smem:$0x3FB9];
	_ =	sdelay $0x3  }
0x34: {  	[smem:$0x3FB9] =	sst s10  }
0x35: {  	s10 =	sld [smem:$0x3FB8];
	_ =	sdelay $0x3  }
0x36: {  	p1 =	seq.s32 s10, $0x1;
	s10 =	sld [smem:$0x3FB9];
	_ =	sdelay $0x3  }
0x37: {  	[smem:$0x3FB9] =	sst s10  }
0x38: {  	s10 =	sld [smem:$0x3FBA]  }
0x39: {  	_ = 	snop;
	(pc) =	sbr.ind lr, $3  }
0x3a: {  	_ = 	snop  }
0x3b: {  	_ = 	snop  }
0x3c: {  	p2 =	seq.s32 s10, $0x1;
	s10 =	sld [smem:$0x3FB9]  }
0x3d: {  	_ =	shalt  }
0x3e: {  	_ =	shalt  }
0x3f: {  	_ =	shalt  }
0x40: {  	_ =	shalt  }
0x41: {  	_ =	shalt  }
0x42: {  	_ =	shalt  }
0x43: {  	_ =	shalt  }
0x44: {  	_ =	shalt  }
0x45: {  	_ =	shalt  }
0x46: {  	_ =	shalt  }
0x47: {  	_ =	shalt  }
0x48: {  	_ =	shalt  }
0x49: {  	_ =	shalt  }
0x4a: {  	_ =	shalt  }
0x4b: {  	_ =	shalt  }
0x4c: {  	_ =	shalt  }
0x4d: {  	_ =	shalt  }
0x4e: {  	_ =	shalt  }
0x4f: {  	_ =	shalt  }
0x50: {  	_ =	shalt  }
0x51: {  	_ =	shalt  }
0x52: {  	_ =	shalt  }
0x53: {  	_ =	shalt  }
0x54: {  	_ =	shalt  }
0x55: {  	_ =	shalt  }
0x56: {  	_ =	shalt  }
0x57: {  	_ =	shalt  }
0x58: {  	_ =	shalt  }
0x59: {  	_ =	shalt  }
0x5a: {  	_ =	shalt  }
0x5b: {  	_ =	shalt  }
0x5c: {  	_ =	shalt  }
0x5d: {  	_ =	shalt  }
0x5e: {  	_ =	shalt  }
0x5f: {  	_ =	shalt  }
0x60: {  	_ =	shalt  }
0x61: {  	_ =	shalt  }
0x62: {  	_ =	shalt  }
0x63: {  	_ =	shalt  }
0x64: {  	_ =	shalt  }
0x65: {  	_ =	shalt  }
0x66: {  	_ =	shalt  }
0x67: {  	_ =	shalt  }
0x68: {  	_ =	shalt  }
0x69: {  	_ =	shalt  }
0x6a: {  	_ =	shalt  }
0x6b: {  	_ =	shalt  }
0x6c: {  	_ =	shalt  }
0x6d: {  	_ =	shalt  }
0x6e: {  	_ =	shalt  }
0x6f: {  	_ =	shalt  }
0x70: {  	_ =	shalt  }
0x71: {  	_ =	shalt  }
0x72: {  	_ =	shalt  }
0x73: {  	_ =	shalt  }
0x74: {  	_ =	shalt  }
0x75: {  	_ =	shalt  }
0x76: {  	_ =	shalt  }
0x77: {  	_ =	shalt  }
0x78: {  	_ =	shalt  }
0x79: {  	_ =	shalt  }
0x7a: {  	_ =	shalt  }
0x7b: {  	_ =	shalt  }
0x7c: {  	_ =	shalt  }
0x7d: {  	_ =	shalt  }
0x7e: {  	_ =	shalt  }
0x7f: {  	_ =	shalt  }
0x80: {  	_ =	shalt  }
0x81: {  	_ =	shalt  }
0x82: {  	_ =	shalt  }
0x83: {  	_ =	shalt  }
0x84: {  	_ =	shalt  }
0x85: {  	_ =	shalt  }
0x86: {  	_ =	shalt  }
0x87: {  	_ =	shalt  }
.Lfunc_end0:
.L_simem_size_0:
called_computation_lowered:
.L_overlay_start_0:
0x88: {  	s2 =	sld [smem:$0x3FD9]  }
0x89: {  	s3 =	sld [smem:$0x3FFE];
	_ =	sdelay $0x1  }
0x8a: {  	s1 =	srdreg.scid  }
0x8b: {  	s0 =	sand.u32 $0x1, s1  }
0x8c: {  	s16 =	sshll.u32 s0, $0xA;
	s2 =	sadd.s32 s3, s2  }
0x8d: {  	s2 =	sadd.s32 s2, s16  }
0x8e: {  	[smem:$0x3FC5] =	sst s2  }
0x8f: {  	_ = 	snop  }
0x90: {  	(tm) =	ssettm $0x1  }
0x91: {  	s17 =	sld [smem:$0x3FFB];
	_ =	sdelay $0x3  }
0x92: {  	_ =	strace s17  }
0x93: {  	s2 =	sld [smem:$0x3FFC];
	_ =	sdelay $0x3  }
0x94: {  	_ =	strace s2  }
0x95: {  	s2 =	sld [smem:$0x3FFD];
	_ =	sdelay $0x3  }
0x96: {  	_ =	strace s2  }
0x97: {  	_ =	strace $0x8FFFFFFF  }
0x98: {  	s18 =	sld [smem:$0x3FDB];
	_ =	sdelay $0x1  }
0x99: {  	s19 =	simm.s32 $_scs_section_size  }
0x9a: {  	s4 =	simm.s32 $_size__tile_overlayer_lowered;
	s5 =	simm.s32 $_tile_overlayer_lowered  }
0x9b: {  	s22 =	simm.s32 $0x1BFF;
	s21 =	sshll.u32 s5, $0x1;
	s2 =	sadd.s32 s19, s18  }
0x9c: {  	s6 =	simm.s32 $0x0;
	s20 =	sshll.u32 s4, $0x1;
	s4 =	sadd.s32 s21, s2  }
0x9d: {  	[timem:s6], [sflag:s22] =	dma.local [hbm:s4], s20  }
0x9e: {  	_ =	swait.ge [sflag:s22], s20  }
0x9f: {  	s3 =	ssub.s32 $0x0, s20;
	[sflag:s22] =	ssyncset.done $0x0  }
0xa0: {  	[sflag:s22] =	ssyncadd.s32 s3;
	_ =	sdelay $0x1  }
0xa1: {  	s23 =	simm.s32 $0x1B8B  }
0xa2: {  	_ =	swait.ge [sflag:s23], $0x1  }
0xa3: {  	[sflag:s23] =	ssyncset.done $0x0  }
0xa4: {  	s25 =	simm.s32 $0x1B8E;
	s24 =	sld [smem:$0x3FFE];
	[sflag:s23] =	ssyncadd.s32 $0xFFFFFFFF  }
0xa5: {  	s26 =	simm.s32 $execute0_lowered;
	[smem:$0x3FD2] =	sst s25  }
0xa6: {  	s4 =	sshll.u32 s26, $0x1;
	_ =	strace $0x80000046;
	[dreg:$0x1] =	wrdreg $0xFFFFFFFF  }
0xa7: {  	s28 =	simm.s32 $_size_execute0_lowered;
	s2 =	sadd.s32 s2, s4;
	[dreg:$0x0] =	wrdreg $0x0  }
0xa8: {  	s4 =	sshll.u32 s28, $0x1;
	[dreg:$0x2] =	wrdreg s2  }
0xa9: {  	[dreg:$0x3] =	wrdreg s4  }
0xaa: {  	[dreg:$0x4] =	wrdreg $0xC0  }
0xab: {  	_ =	task [dreg:s6], $0x5FFFF  }
0xac: {  	[dreg:$0x1] =	wrdreg $0xFFFFFFFF  }
0xad: {  	[dreg:$0x0] =	wrdreg $0x60  }
0xae: {  	[dreg:$0x2] =	wrdreg s24  }
0xaf: {  	[dreg:$0x3] =	wrdreg $0x64100  }
0xb0: {  	[dreg:$0x4] =	wrdreg $0x9  }
0xb1: {  	_ =	task.clear_ibuf [dreg:s6], $0x5FFFF;
	_ =	strace $0x90000046  }
0xb2: {  	s29 =	simm.s32 $0x9;
	_ =	strace $0x80000048  }
0xb3: {  	_ =	swait.ge [sflag:s29], $0x1  }
0xb4: {  	[sflag:s29] =	ssyncadd.s32 $0xFFFFFFFF  }
0xb5: {  	_ =	strace $0x90000048  }
0xb6: {  	_ =	sfence  }
0xb7: {  	s30 =	sld [smem:$0x0];
	_ =	sdelay $0x2  }
0xb8: {  	s31 =	sshll.u32 s1, $0xD;
	s1 =	sshrl.u32 s1, $0x2  }
0xb9: {  	s3 =	sand.u32 $0x4000, s31;
	s1 =	sadd.s32 s1, s30  }
0xba: {  	s0 =	sor.u32 s3, s0;
	s1 =	sshll.u32 s1, $0x11  }
0xbb: {  	s0 =	sor.u32 s1, s0  }
0xbc: {  	s0 =	sadd.s32 $0x8F2B, s0  }
0xbd: {  	[sflag:s0] =	ssyncadd.remote.s32 $0x1  }
0xbe: {  	_ =	sfence.sel $0xFFFF  }
0xbf: {  	[dreg:$0x0] =	wrdreg $0xFFFFFFFF;
	(pc) =	sbr.abs _section_cstart, $3  }
0xc0: {  	[dreg:$0x1] =	wrdreg $0xFFFFFFFF  }
0xc1: {  	_ =	task.clear_ibuf [dreg:s6], $0x2FFFF;
	_ =	strace $0x9FFFFFFF  }
0xc2: {  	(tm) =	ssettm $0x7FFFFFFF  }
0xc3: {  	_ =	shalt  }
tec
execute0_lowered:
.L_overlay_start_1:
0x0: {  	(tag) =	ssettag $0x1  }
0x1: {  	s1 =	srdreg.scid  }
0x2: {  	s1 =	sand.u32 $0x1, s1  }
0x3: {  	p0 =	seq.s32 s1, $0x1  }
.Ltmp0:
0x4: {  	_ = 	snop;
	(pc) =	sbr.rel @p0 .LBB2_8-.Ltmp0, $4  }
0x5: {  	s2 =	rddreg [dreg:$0x0]  }
0x6: {  	s4 =	rddreg [dreg:$0x1];
	s7 =	simm.s32 $0x0  }
0x7: {  	[smem:$0x7FF] =	sst s7  }
0x8: {  	s0 =	rddreg [dreg:$0x2];
	_ =	strace $0x80000047;
	s1 =	stileid.u32  }
0x9: {  	s5 =	smul.u32 $0x900, s1;
	_ =	sdelay $0x1  }
0xa: {  	s3 =	sshrl.u32 s5, $0x3  }
0xb: {  	s8 =	simm.s32 $0x3;
	s6 =	sshll.u32 s1, $0x4;
	s3 =	sadd.s32 s2, s3  }
0xc: {  	[tilespmem:s7], [sflag:$0x3] =	stream.linear.gather [hbm4b:s3+s7], $0x900, $0x38;
	[tilespmem:$0x6420] =	vst v63  }
0xd: {  	s6 =	sadd.s32 s6, s4;
	_ =	swait.ge [sflag:s8], $0x900  }
0xe: {  	s9 =	sadd.s32 $0x1800, s5;
	s3 =	sadd.s32 $0x1200, s2;
	[sflag:s8] =	ssyncset.done $0x0  }
0xf: {  	v1 =	vmov s1;
	v2 =	vlaneseq.u32;
	v0 =	vmov s9;
	s2 =	sadd.s32 $0xA200, s2;
	[sflag:s8] =	ssyncadd.s32 $0xFFFFF700;
	s8 =	smov.u32 s5  }
.LBB2_2:
0x10: {  	p0 =	sne.s32 s7, $0x23C0  }
.Ltmp1:
0x11: {  	_ = 	snop;
	(pc) =	sbr.rel @p0 .LBB2_2-.Ltmp1, $3  }
0x12: {  	_ =	sdelay $0x1  }
0x13: {  	v3 =	vor.u32 s8, v2;
	s9 =	sshra.s32 s7, $0x2  }
0x14: {  	s8 =	sadd.s32 $0x10, s8;
	s7 =	sadd.s32 $0x40, s7;
	[tilespmem:s9+$0x900] =	vst v3  }
0x15: {  	s7 =	simm.s32 $0x0  }
0x16: {  	v3 =	vld [tilespmem:s7+$0x0];
	_ =	sdelay $0x4  }
0x17: {  	v2 =	vimm.s32 $0x0;
	vm0 =	vne.s32 v3, $0x80000000  }
0x18: {  	v3 =	vsel vm0, $0x1, v2  }
0x19: {  	(xrf0) =	vadd.scan.msk.s32 $0xffff, v3;
	_ =	sdelay $0x5  }
0x1a: {  	v3, _, _ =	vpop (xrf0)  }
0x1b: {  	v3 =	vadd.s32 v3, v2  }
0x1c: {  	v5 =	vadd.s32 $0xFFFFFFFF, v3;
	_ =	sdelay $0x1  }
0x1d: {  	v4 =	vmpcnt.ones.xlane vm0  }
0x1e: {  	v3 =	vlaneseq.u32  }
0x1f: {  	s7 =	simm.s32 $0x900;
	v4 =	vadd.s32 v2, v4;
	v6 =	vor.u32 s5, v3  }
0x20: {  	s9 =	simm.s32 $0x10;
	s8 =	simm.s32 $0x80;
	[tilespmem:v5+s7+$0x0] =	vst.idx.msk vm0, v6;
	v5 =	vmov v4  }
.LBB2_4:
0x21: {  	p0 =	sne.s32 s8, $0x23C0;
	v6 =	vld [tilespmem:s9+$0x0];
	_ =	sdelay $0x4  }
0x22: {  	vm0 =	vne.s32 v6, $0x80000000  }
0x23: {  	v6 =	vsel vm0, $0x1, v2;
	v7 =	vmpcnt.ones.xlane vm0  }
0x24: {  	(xrf0) =	vadd.scan.msk.s32 $0xffff, v6  }
0x25: {  	v4 =	vadd.s32 v4, v7;
	_ =	sdelay $0x4  }
0x26: {  	v6, _, _ =	vpop (xrf0)  }
0x27: {  	v6 =	vadd.s32 v6, v5;
	v5 =	vmov v4  }
0x28: {  	v6 =	vadd.s32 $0xFFFFFFFF, v6  }
.Ltmp2:
0x29: {  	(pc) =	sbr.rel @p0 .LBB2_4-.Ltmp2, $4  }
0x2a: {  	_ = 	snop  }
0x2b: {  	s5 =	sadd.s32 $0x10, s5  }
0x2c: {  	v7 =	vor.u32 s5, v3  }
0x2d: {  	s9 =	sshra.s32 s8, $0x2;
	s8 =	sadd.s32 $0x40, s8;
	[tilespmem:v6+s7+$0x0] =	vst.idx.msk vm0, v7  }
0x2e: {  	v6 =	vld [tilespmem:s9+$0x0];
	_ =	sdelay $0x4  }
0x2f: {  	vm0 =	vne.s32 v6, $0x80000000  }
0x30: {  	v2 =	vsel vm0, $0x1, v2  }
0x31: {  	(xrf0) =	vadd.scan.msk.s32 $0xffff, v2;
	_ =	sdelay $0x5  }
0x32: {  	v2, _, _ =	vpop (xrf0)  }
0x33: {  	v2 =	vadd.s32 v2, v5  }
0x34: {  	v5 =	vadd.s32 $0xFFFFFFFF, v2;
	_ =	sdelay $0x2  }
0x35: {  	s5 =	sadd.s32 $0x10, s5;
	v2 =	vmpcnt.ones.xlane vm0  }
0x36: {  	v3 =	vor.u32 s5, v3  }
0x37: {  	v2 =	vadd.s32 v4, v2;
	[tilespmem:v5+s7+$0x0] =	vst.idx.msk vm0, v3  }
0x38: {  	s28 =	simm.s32 $0x6300;
	s29 =	simm.s32 $0x3;
	[tilespmem:$0x6300] =	vst v2  }
0x39: {  	[spmem:s6] =	stream.linear.scatter [tilespmem:s28], [sflag:$0x3], $0x10, $0x38;
	[tilespmem:$0x6420] =	vst v63  }
0x3a: {  	_ =	swait.ge [sflag:s29], $0x10  }
0x3b: {  	[sflag:s29] =	ssyncset.done $0x0  }
0x3c: {  	[sflag:s29] =	ssyncadd.s32 $0xFFFFFFF0  }
0x3d: {  	s30 =	simm.s32 $0x6310;
	[bflag:$0x0] =	sbarrier.arrive $0xFFFF  }
0x3e: {  	[tilespmem:s30], [sflag:$0x3] =	stream.linear.gather [spmem:s4], $0x100, $0x38;
	[tilespmem:$0x6420] =	vst v63  }
0x3f: {  	_ =	swait.ge [sflag:s29], $0x100  }
0x40: {  	[sflag:s29] =	ssyncset.done $0x0  }
0x41: {  	[sflag:s29] =	ssyncadd.s32 $0xFFFFFF00  }
0x42: {  	v3 =	vld [tilespmem:$0x6310]  }
0x43: {  	v4 =	vld [tilespmem:$0x6320]  }
0x44: {  	v5 =	vld [tilespmem:$0x6330]  }
0x45: {  	v57 =	vld [tilespmem:$0x6340]  }
0x46: {  	v7 =	vld [tilespmem:$0x6350]  }
0x47: {  	vm14 =	vgt.u32 v1, $0x1;
	vm1 =	veq.s32 v1, $0x0;
	v8 =	vld [tilespmem:$0x6360]  }
0x48: {  	vm2 =	vgt.u32 v1, $0x2;
	v9 =	vld [tilespmem:$0x6370];
	v3 =	vsel vm1, $0x0, v3;
	v4 =	vnsel vm14, $0x0, v4  }
0x49: {  	vm15 =	vgt.u32 v1, $0x3;
	v3 =	vadd.s32 v3, v4;
	v4 =	vnsel vm2, $0x0, v5;
	v5 =	vld [tilespmem:$0x6380]  }
0x4a: {  	vm4 =	vgt.u32 v1, $0x4;
	v3 =	vadd.s32 v4, v3;
	v4 =	vnsel vm15, $0x0, v57  }
0x4b: {  	vm5 =	vgt.u32 v1, $0x5;
	v58 =	vld [tilespmem:$0x6390];
	v3 =	vadd.s32 v4, v3;
	v4 =	vnsel vm4, $0x0, v7  }
0x4c: {  	vm6 =	vgt.u32 v1, $0x6;
	v59 =	vld [tilespmem:$0x63A0];
	v3 =	vadd.s32 v4, v3;
	v4 =	vnsel vm5, $0x0, v8  }
0x4d: {  	vm7 =	vgt.u32 v1, $0x7;
	v60 =	vld [tilespmem:$0x63B0];
	v3 =	vadd.s32 v4, v3;
	v4 =	vnsel vm6, $0x0, v9  }
0x4e: {  	v3 =	vadd.s32 v4, v3;
	v4 =	vnsel vm7, $0x0, v5;
	v5 =	vld [tilespmem:$0x63C0]  }
0x4f: {  	vm8 =	vgt.u32 v1, $0x8;
	vm9 =	vgt.u32 v1, $0x9;
	v61 =	vld [tilespmem:$0x63D0]  }
0x50: {  	vm10 =	vgt.u32 v1, $0xA;
	v62 =	vld [tilespmem:$0x63E0];
	v3 =	vadd.s32 v4, v3;
	v4 =	vnsel vm8, $0x0, v58  }
0x51: {  	vm11 =	vgt.u32 v1, $0xB;
	v63 =	vld [tilespmem:$0x63F0];
	v3 =	vadd.s32 v4, v3;
	v4 =	vnsel vm9, $0x0, v59  }
0x52: {  	vm12 =	veq.s32 v1, $0xF;
	v3 =	vadd.s32 v4, v3;
	v4 =	vnsel vm10, $0x0, v60  }
0x53: {  	vm13 =	vgt.u32 v1, $0xC;
	v3 =	vadd.s32 v4, v3;
	v4 =	vnsel vm11, $0x0, v5  }
0x54: {  	vm14 =	vgt.u32 v1, $0xD;
	v1 =	vadd.s32 v4, v3;
	v3 =	vnsel vm13, $0x0, v61  }
0x55: {  	s31 =	simm.s32 $0x0;
	v4 =	vnsel vm14, $0x0, v62;
	v3 =	vadd.s32 v3, v1;
	v1 =	vlaneseq.u32  }
0x56: {  	v3 =	vadd.s32 v4, v3;
	v4 =	vnsel vm12, $0x0, v63;
	v5 =	vor.u32 s31, v1  }
0x57: {  	v3 =	vadd.s32 v4, v3;
	vm15 =	vlt.s32 v5, v2  }
0x58: {  	v4 =	vsel vm15, v3, v0  }
0x59: {  	s4 =	simm.s32 $0x1200;
	v4 =	vadd.s32 v5, v4  }
0x5a: {  	s5 =	simm.s32 $0x10;
	[tilespmem:s4+$0x0] =	vst v4  }
.LBB2_6:
0x5b: {  	p0 =	sne.s32 s5, $0x8F0  }
.Ltmp3:
0x5c: {  	v4 =	vor.u32 s5, v1;
	s5 =	sadd.s32 $0x10, s5;
	(pc) =	sbr.rel @p0 .LBB2_6-.Ltmp3, $4  }
0x5d: {  	vm0 =	vlt.s32 v4, v2  }
0x5e: {  	v5 =	vsel vm0, v3, v0  }
0x5f: {  	s4 =	sadd.s32 $0x10, s4;
	v4 =	vadd.s32 v4, v5  }
0x60: {  	[tilespmem:s4+$0x0] =	vst v4  }
0x61: {  	s4 =	simm.s32 $0x900;
	s5 =	simm.s32 $0x1B00;
	s29 =	simm.s32 $0x1  }
0x62: {  	[tilespmem:s5], [sflag:$0x1] =	stream.indirect.gather [hbm4b:s3+s4], $0x8, s4, s4, $0xb8;
	[tilespmem:$0x6420] =	vst v63  }
0x63: {  	_ =	swait.ge [sflag:s29], $0x4800  }
0x64: {  	[sflag:s29] =	ssyncset.done $0x0  }
0x65: {  	s30 =	simm.s32 $0x1200;
	s31 =	simm.s32 $0x2;
	[sflag:s29] =	ssyncadd.s32 $0xFFFFB800  }
0x66: {  	[hbm4b:s2+s4] =	stream.indirect.scatter [tilespmem:s5], [sflag:$0x2], $0x8, s30, s4, $0xb8;
	[tilespmem:$0x6420] =	vst v63  }
0x67: {  	_ =	swait.ge [sflag:s31], $0x4800  }
0x68: {  	[sflag:s31] =	ssyncset.done $0x0  }
0x69: {  	[sflag:s31] =	ssyncadd.s32 $0xFFFFB800  }
.LBB2_8:
0x6a: {  	_ =	sfence.sel $0x180000  }
0x6b: {  	[bflag:$0x0] =	sbarrier.arrive $0xFFFF  }
0x6c: {  	p0 =	sne.s32 s1, $0x0;
	_ =	strace $0x90000047  }
0x6d: {  	s0 =	sadd.s32 @!p0 $0x100000, s0;
	[bflag:$0x2] =	sbarrier.arrive $0xFFFF  }
0x6e: {  	[sflag:s0] =	ssyncadd.tile.s32 @!p0 $0x1;
	_ =	shalt  }
.Lfunc_end2:
_tile_overlayer_lowered:
.L_overlay_start_2:
0x6f: {  	(tag) =	ssettag $0x2  }
0x70: {  	s0 =	rddreg [dreg:$0x0];
	s2 =	stileid.u32  }
0x71: {  	s1 =	rddreg [dreg:$0x1];
	p0 =	sne.s32 s2, $0x0  }
0x72: {  	s3 =	rddreg [dreg:$0x2];
	[bflag:$0x3] =	sbarrier.arrive $0xFFFF;
	s2 =	simm.s32 @!p0 $0x1C03  }
0x73: {  	[timem:s3], [sflag:s2] =	dma.local @!p0 [hbm:s0], s1  }
0x74: {  	s0 =	simm.s32 @!p0 $0x3  }
0x75: {  	_ =	swait.ge @!p0 [sflag:s0], s1  }
0x76: {  	s1 =	ssub.s32 @!p0 $0x0, s1;
	[sflag:s0] =	ssyncset.done @!p0 $0x0  }
0x77: {  	[sflag:s0] =	ssyncadd.s32 @!p0 s1  }
0x78: {  	[bflag:$0x3] =	sbarrier.arrive $0xFFFF  }
0x79: {  	_ =	shalt  }

</sc_bundles>
